<compile_context>
chip_gen: v7x
topology: tpu7x:2x2x1
jax: 0.10.2.dev20260603
libtpu: 0.0.44.dev20260713+nightly
codegen_flags: <defaults>
</compile_context>

<pallas_src>
import jax
import jax.numpy as jnp
from jax import lax
from jax.experimental import pallas as pl
from jax.experimental.pallas import tpu as pltpu
from jax.experimental.pallas import tpu_sc as plsc

N = 10000
E = 320000
F = 128
HF = 64
NG = 64
NCLS = 8

NC, NS = 2, 16
CH = 128
RPW = 157
EPAD = NS * RPW * CH - E
TBL = 10240
RPT = TBL // NS
DST_PAD = N + 100

NBLK = 79
NPAD = NBLK * 128


def _sc_body(x2_hbm, src_hbm, dst_hbm, sums_out, cnt_out,
             sidx_v, didx_v, rows_v, ones_v, zero16_v, sums_sh, cnt_sh, sem):
    c = lax.axis_index("c")
    s = lax.axis_index("s")

    def fill(r, carry):
        for cc in range(HF // 16):
            rows_v[r, pl.ds(cc * 16, 16)] = jnp.zeros((16,), jnp.float32)
        ones_v[r, :] = jnp.ones((16,), jnp.float32)
        zero16_v[r, :] = jnp.zeros((16,), jnp.float32)
        return carry

    lax.fori_loop(0, CH, fill, 0)

    for k in range(RPT // CH):
        pltpu.sync_copy(rows_v, sums_sh.at[pl.ds(s * RPT + k * CH, CH)])

    @pl.when(c == 0)
    def _zero_cnt():
        for k in range(RPT // CH):
            pltpu.sync_copy(zero16_v, cnt_sh.at[pl.ds(s * RPT + k * CH, CH)])

    plsc.subcore_barrier()

    pltpu.sync_copy(src_hbm.at[s], sidx_v)
    pltpu.sync_copy(dst_hbm.at[s], didx_v)

    def edge_chunk(j, carry):
        pltpu.async_copy(x2_hbm.at[c].at[sidx_v.at[j]], rows_v, sem).wait()
        pltpu.sync_copy(rows_v, sums_sh.at[didx_v.at[j]], add=True)

        @pl.when(c == 0)
        def _cnt():
            pltpu.sync_copy(ones_v, cnt_sh.at[didx_v.at[j]], add=True)

        return carry

    lax.fori_loop(0, RPW, edge_chunk, 0)
    plsc.subcore_barrier()

    for k in range(RPT // CH):
        r0 = s * RPT + k * CH
        pltpu.sync_copy(sums_sh.at[pl.ds(r0, CH)], sums_out.at[c, pl.ds(r0, CH)])

    @pl.when(c == 0)
    def _cnt_out():
        for k in range(RPT // CH):
            r0 = s * RPT + k * CH
            pltpu.sync_copy(cnt_sh.at[pl.ds(r0, CH)], cnt_out.at[pl.ds(r0, CH)])


def _sc_scatter(x2, src_p, dst_p):
    return pl.kernel(
        _sc_body,
        out_type=(
            jax.ShapeDtypeStruct((NC, TBL, HF), jnp.float32),
            jax.ShapeDtypeStruct((TBL, 16), jnp.float32),
        ),
        mesh=plsc.VectorSubcoreMesh(
            core_axis_name="c", subcore_axis_name="s",
            num_cores=NC, num_subcores=NS),
        compiler_params=pltpu.CompilerParams(use_tc_tiling_on_sc=False),
        scratch_types=[
            pltpu.VMEM((RPW, CH), jnp.int32),
            pltpu.VMEM((RPW, CH), jnp.int32),
            pltpu.VMEM((CH, HF), jnp.float32),
            pltpu.VMEM((CH, 16), jnp.float32),
            pltpu.VMEM((CH, 16), jnp.float32),
            pltpu.VMEM_SHARED((TBL, HF), jnp.float32),
            pltpu.VMEM_SHARED((TBL, 16), jnp.float32),
            pltpu.SemaphoreType.DMA,
        ],
    )(x2, src_p, dst_p)


def _tc_body(blo_ref, bhi_ref, x_ref, sp_ref, cp_ref, bcol_ref,
             wl_ref, bl_ref, wr_ref, w2_ref, b2_ref, out_ref, gacc):
    i = pl.program_id(0)

    @pl.when(i == 0)
    def _init():
        gacc[...] = jnp.full((NG, F), -jnp.inf, jnp.float32)

    sums = jnp.concatenate([sp_ref[0], sp_ref[1]], axis=1)
    cnt = cp_ref[:, 0:1]
    mean = sums / jnp.maximum(cnt, 1.0)
    h = (lax.dot_general(mean, wl_ref[...], (((1,), (1,)), ((), ())),
                         preferred_element_type=jnp.float32)
         + bl_ref[...]
         + lax.dot_general(x_ref[...], wr_ref[...], (((1,), (1,)), ((), ())),
                           preferred_element_type=jnp.float32))
    h = jnp.maximum(h, 0.0)
    rowid = i * 128 + lax.broadcasted_iota(jnp.int32, (128, 1), 0)
    h = jnp.where(rowid < N, h, -jnp.inf)

    bcol = bcol_ref[...]

    def upd(g, carry):
        contrib = jnp.max(jnp.where(bcol == g, h, -jnp.inf), axis=0,
                          keepdims=True)
        gacc[pl.ds(g, 1), :] = jnp.maximum(gacc[pl.ds(g, 1), :], contrib)
        return carry

    lax.fori_loop(blo_ref[i], bhi_ref[i] + 1, upd, 0)

    @pl.when(i == NBLK - 1)
    def _final():
        gv = gacc[...]
        gv = jnp.where(jnp.isfinite(gv), gv, 0.0)
        logits = lax.dot_general(gv, w2_ref[...], (((1,), (1,)), ((), ())),
                                 preferred_element_type=jnp.float32) + b2_ref[...]
        m = jnp.max(logits, axis=-1, keepdims=True)
        lse = jnp.log(jnp.sum(jnp.exp(logits - m), axis=-1, keepdims=True)) + m
        out_ref[...] = logits - lse


def _tc_dense(blo, bhi, xp, sums_part, cnt_tbl, bcol, W_l, b_l2, W_r, W2, b22):
    grid_spec = pltpu.PrefetchScalarGridSpec(
        num_scalar_prefetch=2,
        grid=(NBLK,),
        in_specs=[
            pl.BlockSpec((128, F), lambda i, *_: (i, 0)),
            pl.BlockSpec((NC, 128, HF), lambda i, *_: (0, i, 0)),
            pl.BlockSpec((128, 16), lambda i, *_: (i, 0)),
            pl.BlockSpec((128, 1), lambda i, *_: (i, 0)),
            pl.BlockSpec((F, F), lambda i, *_: (0, 0)),
            pl.BlockSpec((1, F), lambda i, *_: (0, 0)),
            pl.BlockSpec((F, F), lambda i, *_: (0, 0)),
            pl.BlockSpec((NCLS, F), lambda i, *_: (0, 0)),
            pl.BlockSpec((1, NCLS), lambda i, *_: (0, 0)),
        ],
        out_specs=pl.BlockSpec((NG, NCLS), lambda i, *_: (0, 0)),
        scratch_shapes=[pltpu.VMEM((NG, F), jnp.float32)],
    )
    return pl.pallas_call(
        _tc_body,
        grid_spec=grid_spec,
        out_shape=jax.ShapeDtypeStruct((NG, NCLS), jnp.float32),
        compiler_params=pltpu.CompilerParams(
            dimension_semantics=("arbitrary",)),
    )(blo, bhi, xp, sums_part, cnt_tbl, bcol, W_l, b_l2, W_r, W2, b22)


def kernel(x, edge_index, batch, W_l, b_l, W_r, W2, b2):
    src = edge_index[0]
    dst = edge_index[1]
    x2 = jnp.stack([x[:, :HF], x[:, HF:]])
    src_p = jnp.concatenate(
        [src, jnp.zeros((EPAD,), jnp.int32)]).reshape(NS, RPW, CH)
    dst_p = jnp.concatenate(
        [dst, jnp.full((EPAD,), DST_PAD, jnp.int32)]).reshape(NS, RPW, CH)

    sums_part, cnt_tbl = _sc_scatter(x2, src_p, dst_p)

    xp = jnp.concatenate([x, jnp.zeros((NPAD - N, F), jnp.float32)])
    batch_pad = jnp.concatenate(
        [batch, jnp.full((NPAD - N,), NG - 1, jnp.int32)])
    b2d = batch_pad.reshape(NBLK, 128)
    blo = b2d[:, 0]
    bhi = b2d[:, -1]
    bcol = batch_pad.reshape(NPAD, 1)

    return _tc_dense(blo, bhi, xp, sums_part, cnt_tbl, bcol,
                     W_l, b_l.reshape(1, F), W_r, W2, b2.reshape(1, NCLS))

# --- scband reference (transcript-rebuilt; emitter-appended) ---
"""Pipeline reference for scband-topo-model-22557168239474 (READ-ONLY COPY).

The authoritative reference and input builder live on the scoring server;
editing this copy changes nothing except your own understanding.
"""

import jax, jax.numpy as jnp
import numpy as np

N = 10000
E = 320000
F_IN = 128
NHID = 128
NCLS = 8
NG = 64


def setup_inputs(seed: int = 0) -> dict:
    key = jax.random.key(seed)
    ks = jax.random.split(key, 10)
    x = jax.random.normal(ks[0], (N, F_IN), dtype=jnp.float32)
    edge_index = jax.random.randint(ks[1], (2, E), 0, N, dtype=jnp.int32)
    batch = jnp.sort(jax.random.randint(ks[2], (N,), 0, NG, dtype=jnp.int32))
    # SAGEConv params: lin_l (applied to aggregated neighbors, has bias), lin_r (root, no bias)
    s1 = 1.0 / np.sqrt(F_IN)
    W_l = jax.random.uniform(ks[3], (NHID, F_IN), jnp.float32, -s1, s1)
    b_l = jax.random.uniform(ks[4], (NHID,), jnp.float32, -s1, s1)
    W_r = jax.random.uniform(ks[5], (NHID, F_IN), jnp.float32, -s1, s1)
    s2 = 1.0 / np.sqrt(NHID)
    W2 = jax.random.uniform(ks[6], (NCLS, NHID), jnp.float32, -s2, s2)
    b2 = jax.random.uniform(ks[7], (NCLS,), jnp.float32, -s2, s2)
    return {"x": x, "edge_index": edge_index, "batch": batch,
            "W_l": W_l, "b_l": b_l, "W_r": W_r, "W2": W2, "b2": b2}


def reference(x, edge_index, batch, W_l, b_l, W_r, W2, b2):
    # SAGEConv (mean aggregation): out_i = lin_l(mean_{j in N(i)} x_j) + lin_r(x_i)
    src = edge_index[0]
    dst = edge_index[1]
    msg = jnp.take(x, src, axis=0)                      # gather [E, F_IN]
    sums = jax.ops.segment_sum(msg, dst, num_segments=N)  # scatter-add
    cnt = jax.ops.segment_sum(jnp.ones((E,), jnp.float32), dst, num_segments=N)
    mean = sums / jnp.clip(cnt, 1.0)[:, None]
    h = mean @ W_l.T + b_l + x @ W_r.T
    h = jax.nn.relu(h)
    # global max pool per graph (gmp)
    g = jax.ops.segment_max(h, batch, num_segments=NG)
    g = jnp.where(jnp.isfinite(g), g, 0.0)  # guard empty segments (none expected)
    logits = g @ W2.T + b2
    return jax.nn.log_softmax(logits, axis=-1)

if __name__ == "__main__":
    import jax
    _d = setup_inputs()
    print(jax.jit(kernel)(*tuple(_d.values())))

</pallas_src>

<mosaic_0001>
#map = affine_map<(d0, d1) -> (0, 0, 0)>
#map1 = affine_map<(d0, d1) -> (0, 0)>
module attributes {stable_mosaic.version = 14 : i64} {
  func.func @_sc_body(%arg0: i32, %arg1: i32, %arg2: memref<2x10000x64xf32, #tpu.memory_space<hbm>>, %arg3: memref<16x157x128xi32, #tpu.memory_space<hbm>>, %arg4: memref<16x157x128xi32, #tpu.memory_space<hbm>>, %arg5: memref<2x10240x64xf32, #tpu.memory_space<hbm>>, %arg6: memref<10240x16xf32, #tpu.memory_space<hbm>>, %arg7: memref<157x128xi32, #tpu.memory_space<vmem>>, %arg8: memref<157x128xi32, #tpu.memory_space<vmem>>, %arg9: memref<128x64xf32, #tpu.memory_space<vmem>>, %arg10: memref<128x16xf32, #tpu.memory_space<vmem>>, %arg11: memref<128x16xf32, #tpu.memory_space<vmem>>, %arg12: memref<10240x64xf32, #tpu.memory_space<vmem_shared>>, %arg13: memref<10240x16xf32, #tpu.memory_space<vmem_shared>>, %arg14: memref<!tpu.dma_semaphore, #tpu.memory_space<semaphore_mem>>) attributes {dimension_semantics = [#tpu.dimension_semantics<core_parallel>, #tpu.dimension_semantics<subcore_parallel>], iteration_bounds = array<i64: 2, 16>, scalar_prefetch = 0 : i64, scratch_operands = 8 : i64, tpu.core_type = #tpu.core_type<sc_vector_subcore>, window_params = [{transform_indices = #map}, {transform_indices = #map}, {transform_indices = #map}, {transform_indices = #map}, {transform_indices = #map1}]} {
    %scan3A = arith.constant 0 : i32
    %scan3A_0 = arith.constant 0 : i32
    %scan3A_1 = arith.constant 128 : i32
    %scan3A_2 = arith.addi %scan3A_0, %scan3A_1 : i32
    %scan3A_3 = arith.constant 1 : i32
    scf.for %scan3A_57 = %scan3A_0 to %scan3A_2 step %scan3A_3  : i32 {
      %broadcast_in_dim3A = arith.constant 0.000000e+00 : f32
      %broadcast_in_dim3A_58 = vector.broadcast %broadcast_in_dim3A : f32 to vector<16xf32>
      %swap3A = arith.index_cast %scan3A_57 : i32 to index
      %swap3A_59 = arith.constant 0 : index
      %swap3A_60 = tpu.vector_load %arg9[%swap3A, %swap3A_59] {strides = array<i32>} : memref<128x64xf32, #tpu.memory_space<vmem>>, vector<1x16xf32>,
      %swap3A_61 = vector.shape_cast %swap3A_60 : vector<1x16xf32> to vector<16xf32>
      %swap3A_62 = vector.shape_cast %broadcast_in_dim3A_58 : vector<16xf32> to vector<1x16xf32>
      tpu.vector_store %arg9[%swap3A, %swap3A_59], %swap3A_62 {strides = array<i32>} : memref<128x64xf32, #tpu.memory_space<vmem>>, vector<1x16xf32>,
      %broadcast_in_dim3A_63 = arith.constant 0.000000e+00 : f32
      %broadcast_in_dim3A_64 = vector.broadcast %broadcast_in_dim3A_63 : f32 to vector<16xf32>
      %swap3A_65 = arith.index_cast %scan3A_57 : i32 to index
      %swap3A_66 = arith.constant 16 : index
      %swap3A_67 = tpu.vector_load %arg9[%swap3A_65, %swap3A_66] {strides = array<i32>} : memref<128x64xf32, #tpu.memory_space<vmem>>, vector<1x16xf32>,
      %swap3A_68 = vector.shape_cast %swap3A_67 : vector<1x16xf32> to vector<16xf32>
      %swap3A_69 = vector.shape_cast %broadcast_in_dim3A_64 : vector<16xf32> to vector<1x16xf32>
      tpu.vector_store %arg9[%swap3A_65, %swap3A_66], %swap3A_69 {strides = array<i32>} : memref<128x64xf32, #tpu.memory_space<vmem>>, vector<1x16xf32>,
      %broadcast_in_dim3A_70 = arith.constant 0.000000e+00 : f32
      %broadcast_in_dim3A_71 = vector.broadcast %broadcast_in_dim3A_70 : f32 to vector<16xf32>
      %swap3A_72 = arith.index_cast %scan3A_57 : i32 to index
      %swap3A_73 = arith.constant 32 : index
      %swap3A_74 = tpu.vector_load %arg9[%swap3A_72, %swap3A_73] {strides = array<i32>} : memref<128x64xf32, #tpu.memory_space<vmem>>, vector<1x16xf32>,
      %swap3A_75 = vector.shape_cast %swap3A_74 : vector<1x16xf32> to vector<16xf32>
      %swap3A_76 = vector.shape_cast %broadcast_in_dim3A_71 : vector<16xf32> to vector<1x16xf32>
      tpu.vector_store %arg9[%swap3A_72, %swap3A_73], %swap3A_76 {strides = array<i32>} : memref<128x64xf32, #tpu.memory_space<vmem>>, vector<1x16xf32>,
      %broadcast_in_dim3A_77 = arith.constant 0.000000e+00 : f32
      %broadcast_in_dim3A_78 = vector.broadcast %broadcast_in_dim3A_77 : f32 to vector<16xf32>
      %swap3A_79 = arith.index_cast %scan3A_57 : i32 to index
      %swap3A_80 = arith.constant 48 : index
      %swap3A_81 = tpu.vector_load %arg9[%swap3A_79, %swap3A_80] {strides = array<i32>} : memref<128x64xf32, #tpu.memory_space<vmem>>, vector<1x16xf32>,
      %swap3A_82 = vector.shape_cast %swap3A_81 : vector<1x16xf32> to vector<16xf32>
      %swap3A_83 = vector.shape_cast %broadcast_in_dim3A_78 : vector<16xf32> to vector<1x16xf32>
      tpu.vector_store %arg9[%swap3A_79, %swap3A_80], %swap3A_83 {strides = array<i32>} : memref<128x64xf32, #tpu.memory_space<vmem>>, vector<1x16xf32>,
      %broadcast_in_dim3A_84 = arith.constant 1.000000e+00 : f32
      %broadcast_in_dim3A_85 = vector.broadcast %broadcast_in_dim3A_84 : f32 to vector<16xf32>
      %swap3A_86 = arith.index_cast %scan3A_57 : i32 to index
      %swap3A_87 = arith.constant 0 : index
      %swap3A_88 = tpu.vector_load %arg10[%swap3A_86, %swap3A_87] {strides = array<i32>} : memref<128x16xf32, #tpu.memory_space<vmem>>, vector<1x16xf32>,
      %swap3A_89 = vector.shape_cast %swap3A_88 : vector<1x16xf32> to vector<16xf32>
      %swap3A_90 = vector.shape_cast %broadcast_in_dim3A_85 : vector<16xf32> to vector<1x16xf32>
      tpu.vector_store %arg10[%swap3A_86, %swap3A_87], %swap3A_90 {strides = array<i32>} : memref<128x16xf32, #tpu.memory_space<vmem>>, vector<1x16xf32>,
      %broadcast_in_dim3A_91 = arith.constant 0.000000e+00 : f32
      %broadcast_in_dim3A_92 = vector.broadcast %broadcast_in_dim3A_91 : f32 to vector<16xf32>
      %swap3A_93 = arith.index_cast %scan3A_57 : i32 to index
      %swap3A_94 = arith.constant 0 : index
      %swap3A_95 = tpu.vector_load %arg11[%swap3A_93, %swap3A_94] {strides = array<i32>} : memref<128x16xf32, #tpu.memory_space<vmem>>, vector<1x16xf32>,
      %swap3A_96 = vector.shape_cast %swap3A_95 : vector<1x16xf32> to vector<16xf32>
      %swap3A_97 = vector.shape_cast %broadcast_in_dim3A_92 : vector<16xf32> to vector<1x16xf32>
      tpu.vector_store %arg11[%swap3A_93, %swap3A_94], %swap3A_97 {strides = array<i32>} : memref<128x16xf32, #tpu.memory_space<vmem>>, vector<1x16xf32>,
    }
    %scan3A_4 = arith.constant 128 : i32
    %mul3A = arith.constant 640 : i32
    %mul3A_5 = arith.muli %arg1, %mul3A : i32
    %add3A = arith.constant 0 : i32
    %add3A_6 = arith.addi %mul3A_5, %add3A : i32
    "tpu.region"() ({
      %run_scoped3A = tpu.sem_alloc : memref<!tpu.dma_semaphore, #tpu.memory_space<semaphore_mem>>
      %dma_start3A = arith.constant 0 : i32
      %dma_start3A_57 = tpu.memref_slice %arg12[%add3A_6, %dma_start3A] : memref<10240x64xf32, #tpu.memory_space<vmem_shared>> -> memref<128x64xf32, #tpu.memory_space<vmem_shared>>
      %dma_start3A_58 = arith.constant 0 : i32
      %dma_start3A_59 = tpu.memref_slice %arg12[%add3A_6, %dma_start3A_58] : memref<10240x64xf32, #tpu.memory_space<vmem_shared>> -> memref<128x64xf32, #tpu.memory_space<vmem_shared>>
      tpu.enqueue_dma source(%arg9 : memref<128x64xf32, #tpu.memory_space<vmem>>) target(%dma_start3A_59 : memref<128x64xf32, #tpu.memory_space<vmem_shared>>) target_semaphore(%run_scoped3A : memref<!tpu.dma_semaphore, #tpu.memory_space<semaphore_mem>>)
      %dma_wait3A = arith.constant 0 : i32
      %dma_wait3A_60 = tpu.memref_slice %arg12[%add3A_6, %dma_wait3A] : memref<10240x64xf32, #tpu.memory_space<vmem_shared>> -> memref<128x64xf32, #tpu.memory_space<vmem_shared>>
      %dma_wait3A_61 = arith.constant 0 : i32
      %dma_wait3A_62 = tpu.memref_slice %arg12[%add3A_6, %dma_wait3A_61] : memref<10240x64xf32, #tpu.memory_space<vmem_shared>> -> memref<128x64xf32, #tpu.memory_space<vmem_shared>>
      tpu.wait_dma2 semaphore(%run_scoped3A : memref<!tpu.dma_semaphore, #tpu.memory_space<semaphore_mem>>) src(%arg9 : memref<128x64xf32, #tpu.memory_space<vmem>>) dst(%dma_wait3A_62 : memref<128x64xf32, #tpu.memory_space<vmem_shared>>)
      tpu.yield
    }) : () -> ()
    %mul3A_7 = arith.constant 640 : i32
    %mul3A_8 = arith.muli %arg1, %mul3A_7 : i32
    %add3A_9 = arith.constant 128 : i32
    %add3A_10 = arith.addi %mul3A_8, %add3A_9 : i32
    "tpu.region"() ({
      %run_scoped3A = tpu.sem_alloc : memref<!tpu.dma_semaphore, #tpu.memory_space<semaphore_mem>>
      %dma_start3A = arith.constant 0 : i32
      %dma_start3A_57 = tpu.memref_slice %arg12[%add3A_10, %dma_start3A] : memref<10240x64xf32, #tpu.memory_space<vmem_shared>> -> memref<128x64xf32, #tpu.memory_space<vmem_shared>>
      %dma_start3A_58 = arith.constant 0 : i32
      %dma_start3A_59 = tpu.memref_slice %arg12[%add3A_10, %dma_start3A_58] : memref<10240x64xf32, #tpu.memory_space<vmem_shared>> -> memref<128x64xf32, #tpu.memory_space<vmem_shared>>
      tpu.enqueue_dma source(%arg9 : memref<128x64xf32, #tpu.memory_space<vmem>>) target(%dma_start3A_59 : memref<128x64xf32, #tpu.memory_space<vmem_shared>>) target_semaphore(%run_scoped3A : memref<!tpu.dma_semaphore, #tpu.memory_space<semaphore_mem>>)
      %dma_wait3A = arith.constant 0 : i32
      %dma_wait3A_60 = tpu.memref_slice %arg12[%add3A_10, %dma_wait3A] : memref<10240x64xf32, #tpu.memory_space<vmem_shared>> -> memref<128x64xf32, #tpu.memory_space<vmem_shared>>
      %dma_wait3A_61 = arith.constant 0 : i32
      %dma_wait3A_62 = tpu.memref_slice %arg12[%add3A_10, %dma_wait3A_61] : memref<10240x64xf32, #tpu.memory_space<vmem_shared>> -> memref<128x64xf32, #tpu.memory_space<vmem_shared>>
      tpu.wait_dma2 semaphore(%run_scoped3A : memref<!tpu.dma_semaphore, #tpu.memory_space<semaphore_mem>>) src(%arg9 : memref<128x64xf32, #tpu.memory_space<vmem>>) dst(%dma_wait3A_62 : memref<128x64xf32, #tpu.memory_space<vmem_shared>>)
      tpu.yield
    }) : () -> ()
    %mul3A_11 = arith.constant 640 : i32
    %mul3A_12 = arith.muli %arg1, %mul3A_11 : i32
    %add3A_13 = arith.constant 256 : i32
    %add3A_14 = arith.addi %mul3A_12, %add3A_13 : i32
    "tpu.region"() ({
      %run_scoped3A = tpu.sem_alloc : memref<!tpu.dma_semaphore, #tpu.memory_space<semaphore_mem>>
      %dma_start3A = arith.constant 0 : i32
      %dma_start3A_57 = tpu.memref_slice %arg12[%add3A_14, %dma_start3A] : memref<10240x64xf32, #tpu.memory_space<vmem_shared>> -> memref<128x64xf32, #tpu.memory_space<vmem_shared>>
      %dma_start3A_58 = arith.constant 0 : i32
      %dma_start3A_59 = tpu.memref_slice %arg12[%add3A_14, %dma_start3A_58] : memref<10240x64xf32, #tpu.memory_space<vmem_shared>> -> memref<128x64xf32, #tpu.memory_space<vmem_shared>>
      tpu.enqueue_dma source(%arg9 : memref<128x64xf32, #tpu.memory_space<vmem>>) target(%dma_start3A_59 : memref<128x64xf32, #tpu.memory_space<vmem_shared>>) target_semaphore(%run_scoped3A : memref<!tpu.dma_semaphore, #tpu.memory_space<semaphore_mem>>)
      %dma_wait3A = arith.constant 0 : i32
      %dma_wait3A_60 = tpu.memref_slice %arg12[%add3A_14, %dma_wait3A] : memref<10240x64xf32, #tpu.memory_space<vmem_shared>> -> memref<128x64xf32, #tpu.memory_space<vmem_shared>>
      %dma_wait3A_61 = arith.constant 0 : i32
      %dma_wait3A_62 = tpu.memref_slice %arg12[%add3A_14, %dma_wait3A_61] : memref<10240x64xf32, #tpu.memory_space<vmem_shared>> -> memref<128x64xf32, #tpu.memory_space<vmem_shared>>
      tpu.wait_dma2 semaphore(%run_scoped3A : memref<!tpu.dma_semaphore, #tpu.memory_space<semaphore_mem>>) src(%arg9 : memref<128x64xf32, #tpu.memory_space<vmem>>) dst(%dma_wait3A_62 : memref<128x64xf32, #tpu.memory_space<vmem_shared>>)
      tpu.yield
    }) : () -> ()
    %mul3A_15 = arith.constant 640 : i32
    %mul3A_16 = arith.muli %arg1, %mul3A_15 : i32
    %add3A_17 = arith.constant 384 : i32
    %add3A_18 = arith.addi %mul3A_16, %add3A_17 : i32
    "tpu.region"() ({
      %run_scoped3A = tpu.sem_alloc : memref<!tpu.dma_semaphore, #tpu.memory_space<semaphore_mem>>
      %dma_start3A = arith.constant 0 : i32
      %dma_start3A_57 = tpu.memref_slice %arg12[%add3A_18, %dma_start3A] : memref<10240x64xf32, #tpu.memory_space<vmem_shared>> -> memref<128x64xf32, #tpu.memory_space<vmem_shared>>
      %dma_start3A_58 = arith.constant 0 : i32
      %dma_start3A_59 = tpu.memref_slice %arg12[%add3A_18, %dma_start3A_58] : memref<10240x64xf32, #tpu.memory_space<vmem_shared>> -> memref<128x64xf32, #tpu.memory_space<vmem_shared>>
      tpu.enqueue_dma source(%arg9 : memref<128x64xf32, #tpu.memory_space<vmem>>) target(%dma_start3A_59 : memref<128x64xf32, #tpu.memory_space<vmem_shared>>) target_semaphore(%run_scoped3A : memref<!tpu.dma_semaphore, #tpu.memory_space<semaphore_mem>>)
      %dma_wait3A = arith.constant 0 : i32
      %dma_wait3A_60 = tpu.memref_slice %arg12[%add3A_18, %dma_wait3A] : memref<10240x64xf32, #tpu.memory_space<vmem_shared>> -> memref<128x64xf32, #tpu.memory_space<vmem_shared>>
      %dma_wait3A_61 = arith.constant 0 : i32
      %dma_wait3A_62 = tpu.memref_slice %arg12[%add3A_18, %dma_wait3A_61] : memref<10240x64xf32, #tpu.memory_space<vmem_shared>> -> memref<128x64xf32, #tpu.memory_space<vmem_shared>>
      tpu.wait_dma2 semaphore(%run_scoped3A : memref<!tpu.dma_semaphore, #tpu.memory_space<semaphore_mem>>) src(%arg9 : memref<128x64xf32, #tpu.memory_space<vmem>>) dst(%dma_wait3A_62 : memref<128x64xf32, #tpu.memory_space<vmem_shared>>)
      tpu.yield
    }) : () -> ()
    %mul3A_19 = arith.constant 640 : i32
    %mul3A_20 = arith.muli %arg1, %mul3A_19 : i32
    %add3A_21 = arith.constant 512 : i32
    %add3A_22 = arith.addi %mul3A_20, %add3A_21 : i32
    "tpu.region"() ({
      %run_scoped3A = tpu.sem_alloc : memref<!tpu.dma_semaphore, #tpu.memory_space<semaphore_mem>>
      %dma_start3A = arith.constant 0 : i32
      %dma_start3A_57 = tpu.memref_slice %arg12[%add3A_22, %dma_start3A] : memref<10240x64xf32, #tpu.memory_space<vmem_shared>> -> memref<128x64xf32, #tpu.memory_space<vmem_shared>>
      %dma_start3A_58 = arith.constant 0 : i32
      %dma_start3A_59 = tpu.memref_slice %arg12[%add3A_22, %dma_start3A_58] : memref<10240x64xf32, #tpu.memory_space<vmem_shared>> -> memref<128x64xf32, #tpu.memory_space<vmem_shared>>
      tpu.enqueue_dma source(%arg9 : memref<128x64xf32, #tpu.memory_space<vmem>>) target(%dma_start3A_59 : memref<128x64xf32, #tpu.memory_space<vmem_shared>>) target_semaphore(%run_scoped3A : memref<!tpu.dma_semaphore, #tpu.memory_space<semaphore_mem>>)
      %dma_wait3A = arith.constant 0 : i32
      %dma_wait3A_60 = tpu.memref_slice %arg12[%add3A_22, %dma_wait3A] : memref<10240x64xf32, #tpu.memory_space<vmem_shared>> -> memref<128x64xf32, #tpu.memory_space<vmem_shared>>
      %dma_wait3A_61 = arith.constant 0 : i32
      %dma_wait3A_62 = tpu.memref_slice %arg12[%add3A_22, %dma_wait3A_61] : memref<10240x64xf32, #tpu.memory_space<vmem_shared>> -> memref<128x64xf32, #tpu.memory_space<vmem_shared>>
      tpu.wait_dma2 semaphore(%run_scoped3A : memref<!tpu.dma_semaphore, #tpu.memory_space<semaphore_mem>>) src(%arg9 : memref<128x64xf32, #tpu.memory_space<vmem>>) dst(%dma_wait3A_62 : memref<128x64xf32, #tpu.memory_space<vmem_shared>>)
      tpu.yield
    }) : () -> ()
    %eq3A = arith.constant 0 : i32
    %eq3A_23 = arith.cmpi eq, %arg0, %eq3A : i32
    %convert_element_type3A = arith.extui %eq3A_23 : i1 to i32
    %cond3A = arith.constant 0 : i32
    %cond3A_24 = arith.cmpi ne, %convert_element_type3A, %cond3A : i32
    scf.if %cond3A_24 {
      %mul3A_57 = arith.constant 640 : i32
      %mul3A_58 = arith.muli %arg1, %mul3A_57 : i32
      %add3A_59 = arith.constant 0 : i32
      %add3A_60 = arith.addi %mul3A_58, %add3A_59 : i32
      "tpu.region"() ({
        %run_scoped3A = tpu.sem_alloc : memref<!tpu.dma_semaphore, #tpu.memory_space<semaphore_mem>>
        %dma_start3A = arith.constant 0 : i32
        %dma_start3A_77 = tpu.memref_slice %arg13[%add3A_60, %dma_start3A] : memref<10240x16xf32, #tpu.memory_space<vmem_shared>> -> memref<128x16xf32, #tpu.memory_space<vmem_shared>>
        %dma_start3A_78 = arith.constant 0 : i32
        %dma_start3A_79 = tpu.memref_slice %arg13[%add3A_60, %dma_start3A_78] : memref<10240x16xf32, #tpu.memory_space<vmem_shared>> -> memref<128x16xf32, #tpu.memory_space<vmem_shared>>
        tpu.enqueue_dma source(%arg11 : memref<128x16xf32, #tpu.memory_space<vmem>>) target(%dma_start3A_79 : memref<128x16xf32, #tpu.memory_space<vmem_shared>>) target_semaphore(%run_scoped3A : memref<!tpu.dma_semaphore, #tpu.memory_space<semaphore_mem>>)
        %dma_wait3A = arith.constant 0 : i32
        %dma_wait3A_80 = tpu.memref_slice %arg13[%add3A_60, %dma_wait3A] : memref<10240x16xf32, #tpu.memory_space<vmem_shared>> -> memref<128x16xf32, #tpu.memory_space<vmem_shared>>
        %dma_wait3A_81 = arith.constant 0 : i32
        %dma_wait3A_82 = tpu.memref_slice %arg13[%add3A_60, %dma_wait3A_81] : memref<10240x16xf32, #tpu.memory_space<vmem_shared>> -> memref<128x16xf32, #tpu.memory_space<vmem_shared>>
        tpu.wait_dma2 semaphore(%run_scoped3A : memref<!tpu.dma_semaphore, #tpu.memory_space<semaphore_mem>>) src(%arg11 : memref<128x16xf32, #tpu.memory_space<vmem>>) dst(%dma_wait3A_82 : memref<128x16xf32, #tpu.memory_space<vmem_shared>>)
        tpu.yield
      }) : () -> ()
      %mul3A_61 = arith.constant 640 : i32
      %mul3A_62 = arith.muli %arg1, %mul3A_61 : i32
      %add3A_63 = arith.constant 128 : i32
      %add3A_64 = arith.addi %mul3A_62, %add3A_63 : i32
      "tpu.region"() ({
        %run_scoped3A = tpu.sem_alloc : memref<!tpu.dma_semaphore, #tpu.memory_space<semaphore_mem>>
        %dma_start3A = arith.constant 0 : i32
        %dma_start3A_77 = tpu.memref_slice %arg13[%add3A_64, %dma_start3A] : memref<10240x16xf32, #tpu.memory_space<vmem_shared>> -> memref<128x16xf32, #tpu.memory_space<vmem_shared>>
        %dma_start3A_78 = arith.constant 0 : i32
        %dma_start3A_79 = tpu.memref_slice %arg13[%add3A_64, %dma_start3A_78] : memref<10240x16xf32, #tpu.memory_space<vmem_shared>> -> memref<128x16xf32, #tpu.memory_space<vmem_shared>>
        tpu.enqueue_dma source(%arg11 : memref<128x16xf32, #tpu.memory_space<vmem>>) target(%dma_start3A_79 : memref<128x16xf32, #tpu.memory_space<vmem_shared>>) target_semaphore(%run_scoped3A : memref<!tpu.dma_semaphore, #tpu.memory_space<semaphore_mem>>)
        %dma_wait3A = arith.constant 0 : i32
        %dma_wait3A_80 = tpu.memref_slice %arg13[%add3A_64, %dma_wait3A] : memref<10240x16xf32, #tpu.memory_space<vmem_shared>> -> memref<128x16xf32, #tpu.memory_space<vmem_shared>>
        %dma_wait3A_81 = arith.constant 0 : i32
        %dma_wait3A_82 = tpu.memref_slice %arg13[%add3A_64, %dma_wait3A_81] : memref<10240x16xf32, #tpu.memory_space<vmem_shared>> -> memref<128x16xf32, #tpu.memory_space<vmem_shared>>
        tpu.wait_dma2 semaphore(%run_scoped3A : memref<!tpu.dma_semaphore, #tpu.memory_space<semaphore_mem>>) src(%arg11 : memref<128x16xf32, #tpu.memory_space<vmem>>) dst(%dma_wait3A_82 : memref<128x16xf32, #tpu.memory_space<vmem_shared>>)
        tpu.yield
      }) : () -> ()
      %mul3A_65 = arith.constant 640 : i32
      %mul3A_66 = arith.muli %arg1, %mul3A_65 : i32
      %add3A_67 = arith.constant 256 : i32
      %add3A_68 = arith.addi %mul3A_66, %add3A_67 : i32
      "tpu.region"() ({
        %run_scoped3A = tpu.sem_alloc : memref<!tpu.dma_semaphore, #tpu.memory_space<semaphore_mem>>
        %dma_start3A = arith.constant 0 : i32
        %dma_start3A_77 = tpu.memref_slice %arg13[%add3A_68, %dma_start3A] : memref<10240x16xf32, #tpu.memory_space<vmem_shared>> -> memref<128x16xf32, #tpu.memory_space<vmem_shared>>
        %dma_start3A_78 = arith.constant 0 : i32
        %dma_start3A_79 = tpu.memref_slice %arg13[%add3A_68, %dma_start3A_78] : memref<10240x16xf32, #tpu.memory_space<vmem_shared>> -> memref<128x16xf32, #tpu.memory_space<vmem_shared>>
        tpu.enqueue_dma source(%arg11 : memref<128x16xf32, #tpu.memory_space<vmem>>) target(%dma_start3A_79 : memref<128x16xf32, #tpu.memory_space<vmem_shared>>) target_semaphore(%run_scoped3A : memref<!tpu.dma_semaphore, #tpu.memory_space<semaphore_mem>>)
        %dma_wait3A = arith.constant 0 : i32
        %dma_wait3A_80 = tpu.memref_slice %arg13[%add3A_68, %dma_wait3A] : memref<10240x16xf32, #tpu.memory_space<vmem_shared>> -> memref<128x16xf32, #tpu.memory_space<vmem_shared>>
        %dma_wait3A_81 = arith.constant 0 : i32
        %dma_wait3A_82 = tpu.memref_slice %arg13[%add3A_68, %dma_wait3A_81] : memref<10240x16xf32, #tpu.memory_space<vmem_shared>> -> memref<128x16xf32, #tpu.memory_space<vmem_shared>>
        tpu.wait_dma2 semaphore(%run_scoped3A : memref<!tpu.dma_semaphore, #tpu.memory_space<semaphore_mem>>) src(%arg11 : memref<128x16xf32, #tpu.memory_space<vmem>>) dst(%dma_wait3A_82 : memref<128x16xf32, #tpu.memory_space<vmem_shared>>)
        tpu.yield
      }) : () -> ()
      %mul3A_69 = arith.constant 640 : i32
      %mul3A_70 = arith.muli %arg1, %mul3A_69 : i32
      %add3A_71 = arith.constant 384 : i32
      %add3A_72 = arith.addi %mul3A_70, %add3A_71 : i32
      "tpu.region"() ({
        %run_scoped3A = tpu.sem_alloc : memref<!tpu.dma_semaphore, #tpu.memory_space<semaphore_mem>>
        %dma_start3A = arith.constant 0 : i32
        %dma_start3A_77 = tpu.memref_slice %arg13[%add3A_72, %dma_start3A] : memref<10240x16xf32, #tpu.memory_space<vmem_shared>> -> memref<128x16xf32, #tpu.memory_space<vmem_shared>>
        %dma_start3A_78 = arith.constant 0 : i32
        %dma_start3A_79 = tpu.memref_slice %arg13[%add3A_72, %dma_start3A_78] : memref<10240x16xf32, #tpu.memory_space<vmem_shared>> -> memref<128x16xf32, #tpu.memory_space<vmem_shared>>
        tpu.enqueue_dma source(%arg11 : memref<128x16xf32, #tpu.memory_space<vmem>>) target(%dma_start3A_79 : memref<128x16xf32, #tpu.memory_space<vmem_shared>>) target_semaphore(%run_scoped3A : memref<!tpu.dma_semaphore, #tpu.memory_space<semaphore_mem>>)
        %dma_wait3A = arith.constant 0 : i32
        %dma_wait3A_80 = tpu.memref_slice %arg13[%add3A_72, %dma_wait3A] : memref<10240x16xf32, #tpu.memory_space<vmem_shared>> -> memref<128x16xf32, #tpu.memory_space<vmem_shared>>
        %dma_wait3A_81 = arith.constant 0 : i32
        %dma_wait3A_82 = tpu.memref_slice %arg13[%add3A_72, %dma_wait3A_81] : memref<10240x16xf32, #tpu.memory_space<vmem_shared>> -> memref<128x16xf32, #tpu.memory_space<vmem_shared>>
        tpu.wait_dma2 semaphore(%run_scoped3A : memref<!tpu.dma_semaphore, #tpu.memory_space<semaphore_mem>>) src(%arg11 : memref<128x16xf32, #tpu.memory_space<vmem>>) dst(%dma_wait3A_82 : memref<128x16xf32, #tpu.memory_space<vmem_shared>>)
        tpu.yield
      }) : () -> ()
      %mul3A_73 = arith.constant 640 : i32
      %mul3A_74 = arith.muli %arg1, %mul3A_73 : i32
      %add3A_75 = arith.constant 512 : i32
      %add3A_76 = arith.addi %mul3A_74, %add3A_75 : i32
      "tpu.region"() ({
        %run_scoped3A = tpu.sem_alloc : memref<!tpu.dma_semaphore, #tpu.memory_space<semaphore_mem>>
        %dma_start3A = arith.constant 0 : i32
        %dma_start3A_77 = tpu.memref_slice %arg13[%add3A_76, %dma_start3A] : memref<10240x16xf32, #tpu.memory_space<vmem_shared>> -> memref<128x16xf32, #tpu.memory_space<vmem_shared>>
        %dma_start3A_78 = arith.constant 0 : i32
        %dma_start3A_79 = tpu.memref_slice %arg13[%add3A_76, %dma_start3A_78] : memref<10240x16xf32, #tpu.memory_space<vmem_shared>> -> memref<128x16xf32, #tpu.memory_space<vmem_shared>>
        tpu.enqueue_dma source(%arg11 : memref<128x16xf32, #tpu.memory_space<vmem>>) target(%dma_start3A_79 : memref<128x16xf32, #tpu.memory_space<vmem_shared>>) target_semaphore(%run_scoped3A : memref<!tpu.dma_semaphore, #tpu.memory_space<semaphore_mem>>)
        %dma_wait3A = arith.constant 0 : i32
        %dma_wait3A_80 = tpu.memref_slice %arg13[%add3A_76, %dma_wait3A] : memref<10240x16xf32, #tpu.memory_space<vmem_shared>> -> memref<128x16xf32, #tpu.memory_space<vmem_shared>>
        %dma_wait3A_81 = arith.constant 0 : i32
        %dma_wait3A_82 = tpu.memref_slice %arg13[%add3A_76, %dma_wait3A_81] : memref<10240x16xf32, #tpu.memory_space<vmem_shared>> -> memref<128x16xf32, #tpu.memory_space<vmem_shared>>
        tpu.wait_dma2 semaphore(%run_scoped3A : memref<!tpu.dma_semaphore, #tpu.memory_space<semaphore_mem>>) src(%arg11 : memref<128x16xf32, #tpu.memory_space<vmem>>) dst(%dma_wait3A_82 : memref<128x16xf32, #tpu.memory_space<vmem_shared>>)
        tpu.yield
      }) : () -> ()
    } else {
    }
    %barrier3A = arith.constant 0 : index
    tpu.barrier barrier_id(%barrier3A)
    "tpu.region"() ({
      %run_scoped3A = tpu.sem_alloc : memref<!tpu.dma_semaphore, #tpu.memory_space<semaphore_mem>>
      %dma_start3A = arith.constant 0 : i32
      %dma_start3A_57 = arith.constant 0 : i32
      %dma_start3A_58 = tpu.memref_slice %arg3[%arg1, %dma_start3A, %dma_start3A_57] : memref<16x157x128xi32, #tpu.memory_space<hbm>> -> memref<1x157x128xi32, #tpu.memory_space<hbm>>
      %dma_start3A_59 = tpu.memref_squeeze %dma_start3A_58 : memref<1x157x128xi32, #tpu.memory_space<hbm>> -> memref<157x128xi32, #tpu.memory_space<hbm>>
      %dma_start3A_60 = arith.constant 0 : i32
      %dma_start3A_61 = arith.constant 0 : i32
      %dma_start3A_62 = tpu.memref_slice %arg3[%arg1, %dma_start3A_60, %dma_start3A_61] : memref<16x157x128xi32, #tpu.memory_space<hbm>> -> memref<1x157x128xi32, #tpu.memory_space<hbm>>
      %dma_start3A_63 = tpu.memref_squeeze %dma_start3A_62 : memref<1x157x128xi32, #tpu.memory_space<hbm>> -> memref<157x128xi32, #tpu.memory_space<hbm>>
      tpu.enqueue_dma source(%dma_start3A_63 : memref<157x128xi32, #tpu.memory_space<hbm>>) target(%arg7 : memref<157x128xi32, #tpu.memory_space<vmem>>) target_semaphore(%run_scoped3A : memref<!tpu.dma_semaphore, #tpu.memory_space<semaphore_mem>>)
      %dma_wait3A = arith.constant 0 : i32
      %dma_wait3A_64 = arith.constant 0 : i32
      %dma_wait3A_65 = tpu.memref_slice %arg3[%arg1, %dma_wait3A, %dma_wait3A_64] : memref<16x157x128xi32, #tpu.memory_space<hbm>> -> memref<1x157x128xi32, #tpu.memory_space<hbm>>
      %dma_wait3A_66 = tpu.memref_squeeze %dma_wait3A_65 : memref<1x157x128xi32, #tpu.memory_space<hbm>> -> memref<157x128xi32, #tpu.memory_space<hbm>>
      %dma_wait3A_67 = arith.constant 0 : i32
      %dma_wait3A_68 = arith.constant 0 : i32
      %dma_wait3A_69 = tpu.memref_slice %arg3[%arg1, %dma_wait3A_67, %dma_wait3A_68] : memref<16x157x128xi32, #tpu.memory_space<hbm>> -> memref<1x157x128xi32, #tpu.memory_space<hbm>>
      %dma_wait3A_70 = tpu.memref_squeeze %dma_wait3A_69 : memref<1x157x128xi32, #tpu.memory_space<hbm>> -> memref<157x128xi32, #tpu.memory_space<hbm>>
      tpu.wait_dma2 semaphore(%run_scoped3A : memref<!tpu.dma_semaphore, #tpu.memory_space<semaphore_mem>>) src(%dma_wait3A_70 : memref<157x128xi32, #tpu.memory_space<hbm>>) dst(%arg7 : memref<157x128xi32, #tpu.memory_space<vmem>>)
      tpu.yield
    }) : () -> ()
    "tpu.region"() ({
      %run_scoped3A = tpu.sem_alloc : memref<!tpu.dma_semaphore, #tpu.memory_space<semaphore_mem>>
      %dma_start3A = arith.constant 0 : i32
      %dma_start3A_57 = arith.constant 0 : i32
      %dma_start3A_58 = tpu.memref_slice %arg4[%arg1, %dma_start3A, %dma_start3A_57] : memref<16x157x128xi32, #tpu.memory_space<hbm>> -> memref<1x157x128xi32, #tpu.memory_space<hbm>>
      %dma_start3A_59 = tpu.memref_squeeze %dma_start3A_58 : memref<1x157x128xi32, #tpu.memory_space<hbm>> -> memref<157x128xi32, #tpu.memory_space<hbm>>
      %dma_start3A_60 = arith.constant 0 : i32
      %dma_start3A_61 = arith.constant 0 : i32
      %dma_start3A_62 = tpu.memref_slice %arg4[%arg1, %dma_start3A_60, %dma_start3A_61] : memref<16x157x128xi32, #tpu.memory_space<hbm>> -> memref<1x157x128xi32, #tpu.memory_space<hbm>>
      %dma_start3A_63 = tpu.memref_squeeze %dma_start3A_62 : memref<1x157x128xi32, #tpu.memory_space<hbm>> -> memref<157x128xi32, #tpu.memory_space<hbm>>
      tpu.enqueue_dma source(%dma_start3A_63 : memref<157x128xi32, #tpu.memory_space<hbm>>) target(%arg8 : memref<157x128xi32, #tpu.memory_space<vmem>>) target_semaphore(%run_scoped3A : memref<!tpu.dma_semaphore, #tpu.memory_space<semaphore_mem>>)
      %dma_wait3A = arith.constant 0 : i32
      %dma_wait3A_64 = arith.constant 0 : i32
      %dma_wait3A_65 = tpu.memref_slice %arg4[%arg1, %dma_wait3A, %dma_wait3A_64] : memref<16x157x128xi32, #tpu.memory_space<hbm>> -> memref<1x157x128xi32, #tpu.memory_space<hbm>>
      %dma_wait3A_66 = tpu.memref_squeeze %dma_wait3A_65 : memref<1x157x128xi32, #tpu.memory_space<hbm>> -> memref<157x128xi32, #tpu.memory_space<hbm>>
      %dma_wait3A_67 = arith.constant 0 : i32
      %dma_wait3A_68 = arith.constant 0 : i32
      %dma_wait3A_69 = tpu.memref_slice %arg4[%arg1, %dma_wait3A_67, %dma_wait3A_68] : memref<16x157x128xi32, #tpu.memory_space<hbm>> -> memref<1x157x128xi32, #tpu.memory_space<hbm>>
      %dma_wait3A_70 = tpu.memref_squeeze %dma_wait3A_69 : memref<1x157x128xi32, #tpu.memory_space<hbm>> -> memref<157x128xi32, #tpu.memory_space<hbm>>
      tpu.wait_dma2 semaphore(%run_scoped3A : memref<!tpu.dma_semaphore, #tpu.memory_space<semaphore_mem>>) src(%dma_wait3A_70 : memref<157x128xi32, #tpu.memory_space<hbm>>) dst(%arg8 : memref<157x128xi32, #tpu.memory_space<vmem>>)
      tpu.yield
    }) : () -> ()
    %scan3A_25 = arith.constant 0 : i32
    %scan3A_26 = arith.constant 0 : i32
    %scan3A_27 = arith.constant 157 : i32
    %scan3A_28 = arith.addi %scan3A_26, %scan3A_27 : i32
    %scan3A_29 = arith.constant 1 : i32
    scf.for %scan3A_57 = %scan3A_26 to %scan3A_28 step %scan3A_29  : i32 {
      %dma_start3A = arith.constant 0 : i32
      %dma_start3A_58 = tpu.memref_slice %arg7[%scan3A_57, %dma_start3A] : memref<157x128xi32, #tpu.memory_space<vmem>> -> memref<1x128xi32, #tpu.memory_space<vmem>>
      %dma_start3A_59 = tpu.memref_squeeze %dma_start3A_58 : memref<1x128xi32, #tpu.memory_space<vmem>> -> memref<128xi32, #tpu.memory_space<vmem>>
      %dma_start3A_60 = arith.constant 0 : i32
      %dma_start3A_61 = arith.constant 0 : i32
      %dma_start3A_62 = tpu.memref_slice %arg2[%arg0, %dma_start3A_60, %dma_start3A_61] : memref<2x10000x64xf32, #tpu.memory_space<hbm>> -> memref<1x10000x64xf32, #tpu.memory_space<hbm>>
      %dma_start3A_63 = tpu.memref_squeeze %dma_start3A_62 : memref<1x10000x64xf32, #tpu.memory_space<hbm>> -> memref<10000x64xf32, #tpu.memory_space<hbm>>
      %dma_start3A_64 = arith.constant 0 : i32
      %dma_start3A_65 = arith.constant 0 : i32
      %dma_start3A_66 = tpu.memref_slice %dma_start3A_63[%dma_start3A_64, %dma_start3A_65] : memref<10000x64xf32, #tpu.memory_space<hbm>> -> memref<10000x64xf32, #tpu.memory_space<hbm>>
      tpu.enqueue_indirect_dma source(%dma_start3A_66 : memref<10000x64xf32, #tpu.memory_space<hbm>>) target(%arg9 : memref<128x64xf32, #tpu.memory_space<vmem>>) offsets(%dma_start3A_59 : memref<128xi32, #tpu.memory_space<vmem>>) semaphore(%arg14 : memref<!tpu.dma_semaphore, #tpu.memory_space<semaphore_mem>>)
      %dma_wait3A = arith.constant 0 : i32
      %dma_wait3A_67 = tpu.memref_slice %arg7[%scan3A_57, %dma_wait3A] : memref<157x128xi32, #tpu.memory_space<vmem>> -> memref<1x128xi32, #tpu.memory_space<vmem>>
      %dma_wait3A_68 = tpu.memref_squeeze %dma_wait3A_67 : memref<1x128xi32, #tpu.memory_space<vmem>> -> memref<128xi32, #tpu.memory_space<vmem>>
      %dma_wait3A_69 = arith.constant 0 : i32
      %dma_wait3A_70 = arith.constant 0 : i32
      %dma_wait3A_71 = tpu.memref_slice %arg2[%arg0, %dma_wait3A_69, %dma_wait3A_70] : memref<2x10000x64xf32, #tpu.memory_space<hbm>> -> memref<1x10000x64xf32, #tpu.memory_space<hbm>>
      %dma_wait3A_72 = tpu.memref_squeeze %dma_wait3A_71 : memref<1x10000x64xf32, #tpu.memory_space<hbm>> -> memref<10000x64xf32, #tpu.memory_space<hbm>>
      %dma_wait3A_73 = arith.constant 0 : i32
      %dma_wait3A_74 = arith.constant 0 : i32
      %dma_wait3A_75 = tpu.memref_slice %dma_wait3A_72[%dma_wait3A_73, %dma_wait3A_74] : memref<10000x64xf32, #tpu.memory_space<hbm>> -> memref<10000x64xf32, #tpu.memory_space<hbm>>
      tpu.wait_indirect_dma semaphore(%arg14 : memref<!tpu.dma_semaphore, #tpu.memory_space<semaphore_mem>>) src(%dma_wait3A_75 : memref<10000x64xf32, #tpu.memory_space<hbm>>) dst(%arg9 : memref<128x64xf32, #tpu.memory_space<vmem>>)
      "tpu.region"() ({
        %run_scoped3A = tpu.sem_alloc : memref<!tpu.dma_semaphore, #tpu.memory_space<semaphore_mem>>
        %dma_start3A_81 = arith.constant 0 : i32
        %dma_start3A_82 = tpu.memref_slice %arg8[%scan3A_57, %dma_start3A_81] : memref<157x128xi32, #tpu.memory_space<vmem>> -> memref<1x128xi32, #tpu.memory_space<vmem>>
        %dma_start3A_83 = tpu.memref_squeeze %dma_start3A_82 : memref<1x128xi32, #tpu.memory_space<vmem>> -> memref<128xi32, #tpu.memory_space<vmem>>
        %dma_start3A_84 = arith.constant 0 : i32
        %dma_start3A_85 = arith.constant 0 : i32
        %dma_start3A_86 = tpu.memref_slice %arg12[%dma_start3A_84, %dma_start3A_85] : memref<10240x64xf32, #tpu.memory_space<vmem_shared>> -> memref<10240x64xf32, #tpu.memory_space<vmem_shared>>
        tpu.enqueue_indirect_dma source(%arg9 : memref<128x64xf32, #tpu.memory_space<vmem>>) target(%dma_start3A_86 : memref<10240x64xf32, #tpu.memory_space<vmem_shared>>) offsets(%dma_start3A_83 : memref<128xi32, #tpu.memory_space<vmem>>) semaphore(%run_scoped3A : memref<!tpu.dma_semaphore, #tpu.memory_space<semaphore_mem>>) {add = true}
        %dma_wait3A_87 = arith.constant 0 : i32
        %dma_wait3A_88 = tpu.memref_slice %arg8[%scan3A_57, %dma_wait3A_87] : memref<157x128xi32, #tpu.memory_space<vmem>> -> memref<1x128xi32, #tpu.memory_space<vmem>>
        %dma_wait3A_89 = tpu.memref_squeeze %dma_wait3A_88 : memref<1x128xi32, #tpu.memory_space<vmem>> -> memref<128xi32, #tpu.memory_space<vmem>>
        %dma_wait3A_90 = arith.constant 0 : i32
        %dma_wait3A_91 = arith.constant 0 : i32
        %dma_wait3A_92 = tpu.memref_slice %arg12[%dma_wait3A_90, %dma_wait3A_91] : memref<10240x64xf32, #tpu.memory_space<vmem_shared>> -> memref<10240x64xf32, #tpu.memory_space<vmem_shared>>
        tpu.wait_indirect_dma semaphore(%run_scoped3A : memref<!tpu.dma_semaphore, #tpu.memory_space<semaphore_mem>>) src(%arg9 : memref<128x64xf32, #tpu.memory_space<vmem>>) dst(%dma_wait3A_92 : memref<10240x64xf32, #tpu.memory_space<vmem_shared>>)
        tpu.yield
      }) : () -> ()
      %eq3A_76 = arith.constant 0 : i32
      %eq3A_77 = arith.cmpi eq, %arg0, %eq3A_76 : i32
      %convert_element_type3A_78 = arith.extui %eq3A_77 : i1 to i32
      %cond3A_79 = arith.constant 0 : i32
      %cond3A_80 = arith.cmpi ne, %convert_element_type3A_78, %cond3A_79 : i32
      scf.if %cond3A_80 {
        "tpu.region"() ({
          %run_scoped3A = tpu.sem_alloc : memref<!tpu.dma_semaphore, #tpu.memory_space<semaphore_mem>>
          %dma_start3A_81 = arith.constant 0 : i32
          %dma_start3A_82 = tpu.memref_slice %arg8[%scan3A_57, %dma_start3A_81] : memref<157x128xi32, #tpu.memory_space<vmem>> -> memref<1x128xi32, #tpu.memory_space<vmem>>
          %dma_start3A_83 = tpu.memref_squeeze %dma_start3A_82 : memref<1x128xi32, #tpu.memory_space<vmem>> -> memref<128xi32, #tpu.memory_space<vmem>>
          %dma_start3A_84 = arith.constant 0 : i32
          %dma_start3A_85 = arith.constant 0 : i32
          %dma_start3A_86 = tpu.memref_slice %arg13[%dma_start3A_84, %dma_start3A_85] : memref<10240x16xf32, #tpu.memory_space<vmem_shared>> -> memref<10240x16xf32, #tpu.memory_space<vmem_shared>>
          tpu.enqueue_indirect_dma source(%arg10 : memref<128x16xf32, #tpu.memory_space<vmem>>) target(%dma_start3A_86 : memref<10240x16xf32, #tpu.memory_space<vmem_shared>>) offsets(%dma_start3A_83 : memref<128xi32, #tpu.memory_space<vmem>>) semaphore(%run_scoped3A : memref<!tpu.dma_semaphore, #tpu.memory_space<semaphore_mem>>) {add = true}
          %dma_wait3A_87 = arith.constant 0 : i32
          %dma_wait3A_88 = tpu.memref_slice %arg8[%scan3A_57, %dma_wait3A_87] : memref<157x128xi32, #tpu.memory_space<vmem>> -> memref<1x128xi32, #tpu.memory_space<vmem>>
          %dma_wait3A_89 = tpu.memref_squeeze %dma_wait3A_88 : memref<1x128xi32, #tpu.memory_space<vmem>> -> memref<128xi32, #tpu.memory_space<vmem>>
          %dma_wait3A_90 = arith.constant 0 : i32
          %dma_wait3A_91 = arith.constant 0 : i32
          %dma_wait3A_92 = tpu.memref_slice %arg13[%dma_wait3A_90, %dma_wait3A_91] : memref<10240x16xf32, #tpu.memory_space<vmem_shared>> -> memref<10240x16xf32, #tpu.memory_space<vmem_shared>>
          tpu.wait_indirect_dma semaphore(%run_scoped3A : memref<!tpu.dma_semaphore, #tpu.memory_space<semaphore_mem>>) src(%arg10 : memref<128x16xf32, #tpu.memory_space<vmem>>) dst(%dma_wait3A_92 : memref<10240x16xf32, #tpu.memory_space<vmem_shared>>)
          tpu.yield
        }) : () -> ()
      } else {
      }
    }
    %scan3A_30 = arith.constant 157 : i32
    %barrier3A_31 = arith.constant 0 : index
    tpu.barrier barrier_id(%barrier3A_31)
    %mul3A_32 = arith.constant 640 : i32
    %mul3A_33 = arith.muli %arg1, %mul3A_32 : i32
    %add3A_34 = arith.constant 0 : i32
    %add3A_35 = arith.addi %mul3A_33, %add3A_34 : i32
    "tpu.region"() ({
      %run_scoped3A = tpu.sem_alloc : memref<!tpu.dma_semaphore, #tpu.memory_space<semaphore_mem>>
      %dma_start3A = arith.constant 0 : i32
      %dma_start3A_57 = tpu.memref_slice %arg5[%arg0, %add3A_35, %dma_start3A] : memref<2x10240x64xf32, #tpu.memory_space<hbm>> -> memref<1x128x64xf32, #tpu.memory_space<hbm>>
      %dma_start3A_58 = tpu.memref_squeeze %dma_start3A_57 : memref<1x128x64xf32, #tpu.memory_space<hbm>> -> memref<128x64xf32, #tpu.memory_space<hbm>>
      %dma_start3A_59 = arith.constant 0 : i32
      %dma_start3A_60 = tpu.memref_slice %arg12[%add3A_35, %dma_start3A_59] : memref<10240x64xf32, #tpu.memory_space<vmem_shared>> -> memref<128x64xf32, #tpu.memory_space<vmem_shared>>
      tpu.enqueue_dma source(%dma_start3A_60 : memref<128x64xf32, #tpu.memory_space<vmem_shared>>) target(%dma_start3A_58 : memref<128x64xf32, #tpu.memory_space<hbm>>) target_semaphore(%run_scoped3A : memref<!tpu.dma_semaphore, #tpu.memory_space<semaphore_mem>>)
      %dma_wait3A = arith.constant 0 : i32
      %dma_wait3A_61 = tpu.memref_slice %arg5[%arg0, %add3A_35, %dma_wait3A] : memref<2x10240x64xf32, #tpu.memory_space<hbm>> -> memref<1x128x64xf32, #tpu.memory_space<hbm>>
      %dma_wait3A_62 = tpu.memref_squeeze %dma_wait3A_61 : memref<1x128x64xf32, #tpu.memory_space<hbm>> -> memref<128x64xf32, #tpu.memory_space<hbm>>
      %dma_wait3A_63 = arith.constant 0 : i32
      %dma_wait3A_64 = tpu.memref_slice %arg12[%add3A_35, %dma_wait3A_63] : memref<10240x64xf32, #tpu.memory_space<vmem_shared>> -> memref<128x64xf32, #tpu.memory_space<vmem_shared>>
      tpu.wait_dma2 semaphore(%run_scoped3A : memref<!tpu.dma_semaphore, #tpu.memory_space<semaphore_mem>>) src(%dma_wait3A_64 : memref<128x64xf32, #tpu.memory_space<vmem_shared>>) dst(%dma_wait3A_62 : memref<128x64xf32, #tpu.memory_space<hbm>>)
      tpu.yield
    }) : () -> ()
    %mul3A_36 = arith.constant 640 : i32
    %mul3A_37 = arith.muli %arg1, %mul3A_36 : i32
    %add3A_38 = arith.constant 128 : i32
    %add3A_39 = arith.addi %mul3A_37, %add3A_38 : i32
    "tpu.region"() ({
      %run_scoped3A = tpu.sem_alloc : memref<!tpu.dma_semaphore, #tpu.memory_space<semaphore_mem>>
      %dma_start3A = arith.constant 0 : i32
      %dma_start3A_57 = tpu.memref_slice %arg5[%arg0, %add3A_39, %dma_start3A] : memref<2x10240x64xf32, #tpu.memory_space<hbm>> -> memref<1x128x64xf32, #tpu.memory_space<hbm>>
      %dma_start3A_58 = tpu.memref_squeeze %dma_start3A_57 : memref<1x128x64xf32, #tpu.memory_space<hbm>> -> memref<128x64xf32, #tpu.memory_space<hbm>>
      %dma_start3A_59 = arith.constant 0 : i32
      %dma_start3A_60 = tpu.memref_slice %arg12[%add3A_39, %dma_start3A_59] : memref<10240x64xf32, #tpu.memory_space<vmem_shared>> -> memref<128x64xf32, #tpu.memory_space<vmem_shared>>
      tpu.enqueue_dma source(%dma_start3A_60 : memref<128x64xf32, #tpu.memory_space<vmem_shared>>) target(%dma_start3A_58 : memref<128x64xf32, #tpu.memory_space<hbm>>) target_semaphore(%run_scoped3A : memref<!tpu.dma_semaphore, #tpu.memory_space<semaphore_mem>>)
      %dma_wait3A = arith.constant 0 : i32
      %dma_wait3A_61 = tpu.memref_slice %arg5[%arg0, %add3A_39, %dma_wait3A] : memref<2x10240x64xf32, #tpu.memory_space<hbm>> -> memref<1x128x64xf32, #tpu.memory_space<hbm>>
      %dma_wait3A_62 = tpu.memref_squeeze %dma_wait3A_61 : memref<1x128x64xf32, #tpu.memory_space<hbm>> -> memref<128x64xf32, #tpu.memory_space<hbm>>
      %dma_wait3A_63 = arith.constant 0 : i32
      %dma_wait3A_64 = tpu.memref_slice %arg12[%add3A_39, %dma_wait3A_63] : memref<10240x64xf32, #tpu.memory_space<vmem_shared>> -> memref<128x64xf32, #tpu.memory_space<vmem_shared>>
      tpu.wait_dma2 semaphore(%run_scoped3A : memref<!tpu.dma_semaphore, #tpu.memory_space<semaphore_mem>>) src(%dma_wait3A_64 : memref<128x64xf32, #tpu.memory_space<vmem_shared>>) dst(%dma_wait3A_62 : memref<128x64xf32, #tpu.memory_space<hbm>>)
      tpu.yield
    }) : () -> ()
    %mul3A_40 = arith.constant 640 : i32
    %mul3A_41 = arith.muli %arg1, %mul3A_40 : i32
    %add3A_42 = arith.constant 256 : i32
    %add3A_43 = arith.addi %mul3A_41, %add3A_42 : i32
    "tpu.region"() ({
      %run_scoped3A = tpu.sem_alloc : memref<!tpu.dma_semaphore, #tpu.memory_space<semaphore_mem>>
      %dma_start3A = arith.constant 0 : i32
      %dma_start3A_57 = tpu.memref_slice %arg5[%arg0, %add3A_43, %dma_start3A] : memref<2x10240x64xf32, #tpu.memory_space<hbm>> -> memref<1x128x64xf32, #tpu.memory_space<hbm>>
      %dma_start3A_58 = tpu.memref_squeeze %dma_start3A_57 : memref<1x128x64xf32, #tpu.memory_space<hbm>> -> memref<128x64xf32, #tpu.memory_space<hbm>>
      %dma_start3A_59 = arith.constant 0 : i32
      %dma_start3A_60 = tpu.memref_slice %arg12[%add3A_43, %dma_start3A_59] : memref<10240x64xf32, #tpu.memory_space<vmem_shared>> -> memref<128x64xf32, #tpu.memory_space<vmem_shared>>
      tpu.enqueue_dma source(%dma_start3A_60 : memref<128x64xf32, #tpu.memory_space<vmem_shared>>) target(%dma_start3A_58 : memref<128x64xf32, #tpu.memory_space<hbm>>) target_semaphore(%run_scoped3A : memref<!tpu.dma_semaphore, #tpu.memory_space<semaphore_mem>>)
      %dma_wait3A = arith.constant 0 : i32
      %dma_wait3A_61 = tpu.memref_slice %arg5[%arg0, %add3A_43, %dma_wait3A] : memref<2x10240x64xf32, #tpu.memory_space<hbm>> -> memref<1x128x64xf32, #tpu.memory_space<hbm>>
      %dma_wait3A_62 = tpu.memref_squeeze %dma_wait3A_61 : memref<1x128x64xf32, #tpu.memory_space<hbm>> -> memref<128x64xf32, #tpu.memory_space<hbm>>
      %dma_wait3A_63 = arith.constant 0 : i32
      %dma_wait3A_64 = tpu.memref_slice %arg12[%add3A_43, %dma_wait3A_63] : memref<10240x64xf32, #tpu.memory_space<vmem_shared>> -> memref<128x64xf32, #tpu.memory_space<vmem_shared>>
      tpu.wait_dma2 semaphore(%run_scoped3A : memref<!tpu.dma_semaphore, #tpu.memory_space<semaphore_mem>>) src(%dma_wait3A_64 : memref<128x64xf32, #tpu.memory_space<vmem_shared>>) dst(%dma_wait3A_62 : memref<128x64xf32, #tpu.memory_space<hbm>>)
      tpu.yield
    }) : () -> ()
    %mul3A_44 = arith.constant 640 : i32
    %mul3A_45 = arith.muli %arg1, %mul3A_44 : i32
    %add3A_46 = arith.constant 384 : i32
    %add3A_47 = arith.addi %mul3A_45, %add3A_46 : i32
    "tpu.region"() ({
      %run_scoped3A = tpu.sem_alloc : memref<!tpu.dma_semaphore, #tpu.memory_space<semaphore_mem>>
      %dma_start3A = arith.constant 0 : i32
      %dma_start3A_57 = tpu.memref_slice %arg5[%arg0, %add3A_47, %dma_start3A] : memref<2x10240x64xf32, #tpu.memory_space<hbm>> -> memref<1x128x64xf32, #tpu.memory_space<hbm>>
      %dma_start3A_58 = tpu.memref_squeeze %dma_start3A_57 : memref<1x128x64xf32, #tpu.memory_space<hbm>> -> memref<128x64xf32, #tpu.memory_space<hbm>>
      %dma_start3A_59 = arith.constant 0 : i32
      %dma_start3A_60 = tpu.memref_slice %arg12[%add3A_47, %dma_start3A_59] : memref<10240x64xf32, #tpu.memory_space<vmem_shared>> -> memref<128x64xf32, #tpu.memory_space<vmem_shared>>
      tpu.enqueue_dma source(%dma_start3A_60 : memref<128x64xf32, #tpu.memory_space<vmem_shared>>) target(%dma_start3A_58 : memref<128x64xf32, #tpu.memory_space<hbm>>) target_semaphore(%run_scoped3A : memref<!tpu.dma_semaphore, #tpu.memory_space<semaphore_mem>>)
      %dma_wait3A = arith.constant 0 : i32
      %dma_wait3A_61 = tpu.memref_slice %arg5[%arg0, %add3A_47, %dma_wait3A] : memref<2x10240x64xf32, #tpu.memory_space<hbm>> -> memref<1x128x64xf32, #tpu.memory_space<hbm>>
      %dma_wait3A_62 = tpu.memref_squeeze %dma_wait3A_61 : memref<1x128x64xf32, #tpu.memory_space<hbm>> -> memref<128x64xf32, #tpu.memory_space<hbm>>
      %dma_wait3A_63 = arith.constant 0 : i32
      %dma_wait3A_64 = tpu.memref_slice %arg12[%add3A_47, %dma_wait3A_63] : memref<10240x64xf32, #tpu.memory_space<vmem_shared>> -> memref<128x64xf32, #tpu.memory_space<vmem_shared>>
      tpu.wait_dma2 semaphore(%run_scoped3A : memref<!tpu.dma_semaphore, #tpu.memory_space<semaphore_mem>>) src(%dma_wait3A_64 : memref<128x64xf32, #tpu.memory_space<vmem_shared>>) dst(%dma_wait3A_62 : memref<128x64xf32, #tpu.memory_space<hbm>>)
      tpu.yield
    }) : () -> ()
    %mul3A_48 = arith.constant 640 : i32
    %mul3A_49 = arith.muli %arg1, %mul3A_48 : i32
    %add3A_50 = arith.constant 512 : i32
    %add3A_51 = arith.addi %mul3A_49, %add3A_50 : i32
    "tpu.region"() ({
      %run_scoped3A = tpu.sem_alloc : memref<!tpu.dma_semaphore, #tpu.memory_space<semaphore_mem>>
      %dma_start3A = arith.constant 0 : i32
      %dma_start3A_57 = tpu.memref_slice %arg5[%arg0, %add3A_51, %dma_start3A] : memref<2x10240x64xf32, #tpu.memory_space<hbm>> -> memref<1x128x64xf32, #tpu.memory_space<hbm>>
      %dma_start3A_58 = tpu.memref_squeeze %dma_start3A_57 : memref<1x128x64xf32, #tpu.memory_space<hbm>> -> memref<128x64xf32, #tpu.memory_space<hbm>>
      %dma_start3A_59 = arith.constant 0 : i32
      %dma_start3A_60 = tpu.memref_slice %arg12[%add3A_51, %dma_start3A_59] : memref<10240x64xf32, #tpu.memory_space<vmem_shared>> -> memref<128x64xf32, #tpu.memory_space<vmem_shared>>
      tpu.enqueue_dma source(%dma_start3A_60 : memref<128x64xf32, #tpu.memory_space<vmem_shared>>) target(%dma_start3A_58 : memref<128x64xf32, #tpu.memory_space<hbm>>) target_semaphore(%run_scoped3A : memref<!tpu.dma_semaphore, #tpu.memory_space<semaphore_mem>>)
      %dma_wait3A = arith.constant 0 : i32
      %dma_wait3A_61 = tpu.memref_slice %arg5[%arg0, %add3A_51, %dma_wait3A] : memref<2x10240x64xf32, #tpu.memory_space<hbm>> -> memref<1x128x64xf32, #tpu.memory_space<hbm>>
      %dma_wait3A_62 = tpu.memref_squeeze %dma_wait3A_61 : memref<1x128x64xf32, #tpu.memory_space<hbm>> -> memref<128x64xf32, #tpu.memory_space<hbm>>
      %dma_wait3A_63 = arith.constant 0 : i32
      %dma_wait3A_64 = tpu.memref_slice %arg12[%add3A_51, %dma_wait3A_63] : memref<10240x64xf32, #tpu.memory_space<vmem_shared>> -> memref<128x64xf32, #tpu.memory_space<vmem_shared>>
      tpu.wait_dma2 semaphore(%run_scoped3A : memref<!tpu.dma_semaphore, #tpu.memory_space<semaphore_mem>>) src(%dma_wait3A_64 : memref<128x64xf32, #tpu.memory_space<vmem_shared>>) dst(%dma_wait3A_62 : memref<128x64xf32, #tpu.memory_space<hbm>>)
      tpu.yield
    }) : () -> ()
    %eq3A_52 = arith.constant 0 : i32
    %eq3A_53 = arith.cmpi eq, %arg0, %eq3A_52 : i32
    %convert_element_type3A_54 = arith.extui %eq3A_53 : i1 to i32
    %cond3A_55 = arith.constant 0 : i32
    %cond3A_56 = arith.cmpi ne, %convert_element_type3A_54, %cond3A_55 : i32
    scf.if %cond3A_56 {
      %mul3A_57 = arith.constant 640 : i32
      %mul3A_58 = arith.muli %arg1, %mul3A_57 : i32
      %add3A_59 = arith.constant 0 : i32
      %add3A_60 = arith.addi %mul3A_58, %add3A_59 : i32
      "tpu.region"() ({
        %run_scoped3A = tpu.sem_alloc : memref<!tpu.dma_semaphore, #tpu.memory_space<semaphore_mem>>
        %dma_start3A = arith.constant 0 : i32
        %dma_start3A_77 = tpu.memref_slice %arg6[%add3A_60, %dma_start3A] : memref<10240x16xf32, #tpu.memory_space<hbm>> -> memref<128x16xf32, #tpu.memory_space<hbm>>
        %dma_start3A_78 = arith.constant 0 : i32
        %dma_start3A_79 = tpu.memref_slice %arg13[%add3A_60, %dma_start3A_78] : memref<10240x16xf32, #tpu.memory_space<vmem_shared>> -> memref<128x16xf32, #tpu.memory_space<vmem_shared>>
        tpu.enqueue_dma source(%dma_start3A_79 : memref<128x16xf32, #tpu.memory_space<vmem_shared>>) target(%dma_start3A_77 : memref<128x16xf32, #tpu.memory_space<hbm>>) target_semaphore(%run_scoped3A : memref<!tpu.dma_semaphore, #tpu.memory_space<semaphore_mem>>)
        %dma_wait3A = arith.constant 0 : i32
        %dma_wait3A_80 = tpu.memref_slice %arg6[%add3A_60, %dma_wait3A] : memref<10240x16xf32, #tpu.memory_space<hbm>> -> memref<128x16xf32, #tpu.memory_space<hbm>>
        %dma_wait3A_81 = arith.constant 0 : i32
        %dma_wait3A_82 = tpu.memref_slice %arg13[%add3A_60, %dma_wait3A_81] : memref<10240x16xf32, #tpu.memory_space<vmem_shared>> -> memref<128x16xf32, #tpu.memory_space<vmem_shared>>
        tpu.wait_dma2 semaphore(%run_scoped3A : memref<!tpu.dma_semaphore, #tpu.memory_space<semaphore_mem>>) src(%dma_wait3A_82 : memref<128x16xf32, #tpu.memory_space<vmem_shared>>) dst(%dma_wait3A_80 : memref<128x16xf32, #tpu.memory_space<hbm>>)
        tpu.yield
      }) : () -> ()
      %mul3A_61 = arith.constant 640 : i32
      %mul3A_62 = arith.muli %arg1, %mul3A_61 : i32
      %add3A_63 = arith.constant 128 : i32
      %add3A_64 = arith.addi %mul3A_62, %add3A_63 : i32
      "tpu.region"() ({
        %run_scoped3A = tpu.sem_alloc : memref<!tpu.dma_semaphore, #tpu.memory_space<semaphore_mem>>
        %dma_start3A = arith.constant 0 : i32
        %dma_start3A_77 = tpu.memref_slice %arg6[%add3A_64, %dma_start3A] : memref<10240x16xf32, #tpu.memory_space<hbm>> -> memref<128x16xf32, #tpu.memory_space<hbm>>
        %dma_start3A_78 = arith.constant 0 : i32
        %dma_start3A_79 = tpu.memref_slice %arg13[%add3A_64, %dma_start3A_78] : memref<10240x16xf32, #tpu.memory_space<vmem_shared>> -> memref<128x16xf32, #tpu.memory_space<vmem_shared>>
        tpu.enqueue_dma source(%dma_start3A_79 : memref<128x16xf32, #tpu.memory_space<vmem_shared>>) target(%dma_start3A_77 : memref<128x16xf32, #tpu.memory_space<hbm>>) target_semaphore(%run_scoped3A : memref<!tpu.dma_semaphore, #tpu.memory_space<semaphore_mem>>)
        %dma_wait3A = arith.constant 0 : i32
        %dma_wait3A_80 = tpu.memref_slice %arg6[%add3A_64, %dma_wait3A] : memref<10240x16xf32, #tpu.memory_space<hbm>> -> memref<128x16xf32, #tpu.memory_space<hbm>>
        %dma_wait3A_81 = arith.constant 0 : i32
        %dma_wait3A_82 = tpu.memref_slice %arg13[%add3A_64, %dma_wait3A_81] : memref<10240x16xf32, #tpu.memory_space<vmem_shared>> -> memref<128x16xf32, #tpu.memory_space<vmem_shared>>
        tpu.wait_dma2 semaphore(%run_scoped3A : memref<!tpu.dma_semaphore, #tpu.memory_space<semaphore_mem>>) src(%dma_wait3A_82 : memref<128x16xf32, #tpu.memory_space<vmem_shared>>) dst(%dma_wait3A_80 : memref<128x16xf32, #tpu.memory_space<hbm>>)
        tpu.yield
      }) : () -> ()
      %mul3A_65 = arith.constant 640 : i32
      %mul3A_66 = arith.muli %arg1, %mul3A_65 : i32
      %add3A_67 = arith.constant 256 : i32
      %add3A_68 = arith.addi %mul3A_66, %add3A_67 : i32
      "tpu.region"() ({
        %run_scoped3A = tpu.sem_alloc : memref<!tpu.dma_semaphore, #tpu.memory_space<semaphore_mem>>
        %dma_start3A = arith.constant 0 : i32
        %dma_start3A_77 = tpu.memref_slice %arg6[%add3A_68, %dma_start3A] : memref<10240x16xf32, #tpu.memory_space<hbm>> -> memref<128x16xf32, #tpu.memory_space<hbm>>
        %dma_start3A_78 = arith.constant 0 : i32
        %dma_start3A_79 = tpu.memref_slice %arg13[%add3A_68, %dma_start3A_78] : memref<10240x16xf32, #tpu.memory_space<vmem_shared>> -> memref<128x16xf32, #tpu.memory_space<vmem_shared>>
        tpu.enqueue_dma source(%dma_start3A_79 : memref<128x16xf32, #tpu.memory_space<vmem_shared>>) target(%dma_start3A_77 : memref<128x16xf32, #tpu.memory_space<hbm>>) target_semaphore(%run_scoped3A : memref<!tpu.dma_semaphore, #tpu.memory_space<semaphore_mem>>)
        %dma_wait3A = arith.constant 0 : i32
        %dma_wait3A_80 = tpu.memref_slice %arg6[%add3A_68, %dma_wait3A] : memref<10240x16xf32, #tpu.memory_space<hbm>> -> memref<128x16xf32, #tpu.memory_space<hbm>>
        %dma_wait3A_81 = arith.constant 0 : i32
        %dma_wait3A_82 = tpu.memref_slice %arg13[%add3A_68, %dma_wait3A_81] : memref<10240x16xf32, #tpu.memory_space<vmem_shared>> -> memref<128x16xf32, #tpu.memory_space<vmem_shared>>
        tpu.wait_dma2 semaphore(%run_scoped3A : memref<!tpu.dma_semaphore, #tpu.memory_space<semaphore_mem>>) src(%dma_wait3A_82 : memref<128x16xf32, #tpu.memory_space<vmem_shared>>) dst(%dma_wait3A_80 : memref<128x16xf32, #tpu.memory_space<hbm>>)
        tpu.yield
      }) : () -> ()
      %mul3A_69 = arith.constant 640 : i32
      %mul3A_70 = arith.muli %arg1, %mul3A_69 : i32
      %add3A_71 = arith.constant 384 : i32
      %add3A_72 = arith.addi %mul3A_70, %add3A_71 : i32
      "tpu.region"() ({
        %run_scoped3A = tpu.sem_alloc : memref<!tpu.dma_semaphore, #tpu.memory_space<semaphore_mem>>
        %dma_start3A = arith.constant 0 : i32
        %dma_start3A_77 = tpu.memref_slice %arg6[%add3A_72, %dma_start3A] : memref<10240x16xf32, #tpu.memory_space<hbm>> -> memref<128x16xf32, #tpu.memory_space<hbm>>
        %dma_start3A_78 = arith.constant 0 : i32
        %dma_start3A_79 = tpu.memref_slice %arg13[%add3A_72, %dma_start3A_78] : memref<10240x16xf32, #tpu.memory_space<vmem_shared>> -> memref<128x16xf32, #tpu.memory_space<vmem_shared>>
        tpu.enqueue_dma source(%dma_start3A_79 : memref<128x16xf32, #tpu.memory_space<vmem_shared>>) target(%dma_start3A_77 : memref<128x16xf32, #tpu.memory_space<hbm>>) target_semaphore(%run_scoped3A : memref<!tpu.dma_semaphore, #tpu.memory_space<semaphore_mem>>)
        %dma_wait3A = arith.constant 0 : i32
        %dma_wait3A_80 = tpu.memref_slice %arg6[%add3A_72, %dma_wait3A] : memref<10240x16xf32, #tpu.memory_space<hbm>> -> memref<128x16xf32, #tpu.memory_space<hbm>>
        %dma_wait3A_81 = arith.constant 0 : i32
        %dma_wait3A_82 = tpu.memref_slice %arg13[%add3A_72, %dma_wait3A_81] : memref<10240x16xf32, #tpu.memory_space<vmem_shared>> -> memref<128x16xf32, #tpu.memory_space<vmem_shared>>
        tpu.wait_dma2 semaphore(%run_scoped3A : memref<!tpu.dma_semaphore, #tpu.memory_space<semaphore_mem>>) src(%dma_wait3A_82 : memref<128x16xf32, #tpu.memory_space<vmem_shared>>) dst(%dma_wait3A_80 : memref<128x16xf32, #tpu.memory_space<hbm>>)
        tpu.yield
      }) : () -> ()
      %mul3A_73 = arith.constant 640 : i32
      %mul3A_74 = arith.muli %arg1, %mul3A_73 : i32
      %add3A_75 = arith.constant 512 : i32
      %add3A_76 = arith.addi %mul3A_74, %add3A_75 : i32
      "tpu.region"() ({
        %run_scoped3A = tpu.sem_alloc : memref<!tpu.dma_semaphore, #tpu.memory_space<semaphore_mem>>
        %dma_start3A = arith.constant 0 : i32
        %dma_start3A_77 = tpu.memref_slice %arg6[%add3A_76, %dma_start3A] : memref<10240x16xf32, #tpu.memory_space<hbm>> -> memref<128x16xf32, #tpu.memory_space<hbm>>
        %dma_start3A_78 = arith.constant 0 : i32
        %dma_start3A_79 = tpu.memref_slice %arg13[%add3A_76, %dma_start3A_78] : memref<10240x16xf32, #tpu.memory_space<vmem_shared>> -> memref<128x16xf32, #tpu.memory_space<vmem_shared>>
        tpu.enqueue_dma source(%dma_start3A_79 : memref<128x16xf32, #tpu.memory_space<vmem_shared>>) target(%dma_start3A_77 : memref<128x16xf32, #tpu.memory_space<hbm>>) target_semaphore(%run_scoped3A : memref<!tpu.dma_semaphore, #tpu.memory_space<semaphore_mem>>)
        %dma_wait3A = arith.constant 0 : i32
        %dma_wait3A_80 = tpu.memref_slice %arg6[%add3A_76, %dma_wait3A] : memref<10240x16xf32, #tpu.memory_space<hbm>> -> memref<128x16xf32, #tpu.memory_space<hbm>>
        %dma_wait3A_81 = arith.constant 0 : i32
        %dma_wait3A_82 = tpu.memref_slice %arg13[%add3A_76, %dma_wait3A_81] : memref<10240x16xf32, #tpu.memory_space<vmem_shared>> -> memref<128x16xf32, #tpu.memory_space<vmem_shared>>
        tpu.wait_dma2 semaphore(%run_scoped3A : memref<!tpu.dma_semaphore, #tpu.memory_space<semaphore_mem>>) src(%dma_wait3A_82 : memref<128x16xf32, #tpu.memory_space<vmem_shared>>) dst(%dma_wait3A_80 : memref<128x16xf32, #tpu.memory_space<hbm>>)
        tpu.yield
      }) : () -> ()
    } else {
    }
    return
  }
}

module attributes {stable_mosaic.version = 14 : i64} {
  func.func @_tc_body(%arg0: i32, %arg1: memref<79xi32, #tpu.memory_space<smem>>, %arg2: memref<79xi32, #tpu.memory_space<smem>>, %arg3: memref<128x128xf32, #tpu.memory_space<vmem>>, %arg4: memref<2x128x64xf32, #tpu.memory_space<vmem>>, %arg5: memref<128x16xf32, #tpu.memory_space<vmem>>, %arg6: memref<128x1xi32, #tpu.memory_space<vmem>>, %arg7: memref<128x128xf32, #tpu.memory_space<vmem>>, %arg8: memref<1x128xf32, #tpu.memory_space<vmem>>, %arg9: memref<128x128xf32, #tpu.memory_space<vmem>>, %arg10: memref<8x128xf32, #tpu.memory_space<vmem>>, %arg11: memref<1x8xf32, #tpu.memory_space<vmem>>, %arg12: memref<64x8xf32, #tpu.memory_space<vmem>>, %arg13: memref<64x128xf32, #tpu.memory_space<vmem>>) attributes {dimension_semantics = [#tpu.dimension_semantics<arbitrary>], iteration_bounds = array<i64: 79>, scalar_prefetch = 2 : i64, scratch_operands = 1 : i64, tpu.core_type = #tpu.core_type<tc>, window_params = [{transform_indices = @transform_0, window_bounds = array<i64: 128, 128>}, {transform_indices = @transform_1, window_bounds = array<i64: 2, 128, 64>}, {transform_indices = @transform_2, window_bounds = array<i64: 128, 16>}, {transform_indices = @transform_3, window_bounds = array<i64: 128, 1>}, {pipeline_mode = #tpu.pipeline_mode<synchronous>, transform_indices = @transform_4, window_bounds = array<i64: 128, 128>}, {pipeline_mode = #tpu.pipeline_mode<synchronous>, transform_indices = @transform_5, window_bounds = array<i64: 1, 128>}, {pipeline_mode = #tpu.pipeline_mode<synchronous>, transform_indices = @transform_6, window_bounds = array<i64: 128, 128>}, {pipeline_mode = #tpu.pipeline_mode<synchronous>, transform_indices = @transform_7, window_bounds = array<i64: 8, 128>}, {pipeline_mode = #tpu.pipeline_mode<synchronous>, transform_indices = @transform_8, window_bounds = array<i64: 1, 8>}, {pipeline_mode = #tpu.pipeline_mode<synchronous>, transform_indices = @transform_9, window_bounds = array<i64: 64, 8>}]} {
    %eq3A = arith.constant 0 : i32
    %eq3A_0 = arith.cmpi eq, %arg0, %eq3A : i32
    %convert_element_type3A = arith.extui %eq3A_0 : i1 to i32
    %cond3A = arith.constant 0 : i32
    %cond3A_1 = arith.cmpi ne, %convert_element_type3A, %cond3A : i32
    scf.if %cond3A_1 {
      %broadcast_in_dim3A_66 = arith.constant 0xFF800000 : f32
      %broadcast_in_dim3A_67 = vector.broadcast %broadcast_in_dim3A_66 : f32 to vector<64x128xf32>
      %swap3A = arith.constant 0 : index
      %swap3A_68 = arith.constant 0 : index
      %swap3A_69 = vector.load %arg13[%swap3A, %swap3A_68] : memref<64x128xf32, #tpu.memory_space<vmem>>, vector<64x128xf32>
      tpu.vector_store %arg13[%swap3A, %swap3A_68], %broadcast_in_dim3A_67 {strides = array<i32>} : memref<64x128xf32, #tpu.memory_space<vmem>>, vector<64x128xf32>,
    } else {
    }
    %get3A = arith.constant 0 : index
    %get3A_2 = arith.constant 0 : index
    %get3A_3 = arith.constant 0 : index
    %get3A_4 = vector.load %arg4[%get3A, %get3A_2, %get3A_3] : memref<2x128x64xf32, #tpu.memory_space<vmem>>, vector<1x128x64xf32>
    %get3A_5 = vector.shape_cast %get3A_4 : vector<1x128x64xf32> to vector<128x64xf32>
    %get3A_6 = arith.constant 1 : index
    %get3A_7 = arith.constant 0 : index
    %get3A_8 = arith.constant 0 : index
    %get3A_9 = vector.load %arg4[%get3A_6, %get3A_7, %get3A_8] : memref<2x128x64xf32, #tpu.memory_space<vmem>>, vector<1x128x64xf32>
    %get3A_10 = vector.shape_cast %get3A_9 : vector<1x128x64xf32> to vector<128x64xf32>
    %concatenate3A = tpu.concatenate %get3A_5, %get3A_10 in 1 : vector<128x64xf32>, vector<128x64xf32> -> vector<128x128xf32>
    %get3A_11 = arith.constant 0 : index
    %get3A_12 = arith.constant 0 : index
    %get3A_13 = vector.load %arg5[%get3A_11, %get3A_12] : memref<128x16xf32, #tpu.memory_space<vmem>>, vector<128x1xf32>
    %max3A = arith.constant 1.000000e+00 : f32
    %max3A_14 = vector.broadcast %max3A : f32 to vector<128x1xf32>
    %max3A_15 = arith.maximumf %get3A_13, %max3A_14 : vector<128x1xf32>
    %div3A = vector.broadcast %max3A_15 : vector<128x1xf32> to vector<128x128xf32>
    %div3A_16 = arith.divf %concatenate3A, %div3A : vector<128x128xf32>
    %get3A_17 = arith.constant 0 : index
    %get3A_18 = arith.constant 0 : index
    %get3A_19 = vector.load %arg7[%get3A_17, %get3A_18] : memref<128x128xf32, #tpu.memory_space<vmem>>, vector<128x128xf32>
    %dot_general3A = arith.constant dense<0.000000e+00> : vector<128x128xf32>
    %dot_general3A_20 = tpu.matmul %div3A_16, %get3A_19, %dot_general3A {dimension_numbers = #tpu.dot_dimension_numbers<[1], [1], [0], [0], [0, 0, 1, 0], [], []>, transpose_lhs_hint = false} : vector<128x128xf32>, vector<128x128xf32>, vector<128x128xf32> -> vector<128x128xf32>
    %get3A_21 = arith.constant 0 : index
    %get3A_22 = arith.constant 0 : index
    %get3A_23 = vector.load %arg8[%get3A_21, %get3A_22] : memref<1x128xf32, #tpu.memory_space<vmem>>, vector<1x128xf32>
    %add3A = vector.broadcast %get3A_23 : vector<1x128xf32> to vector<128x128xf32>
    %add3A_24 = arith.addf %dot_general3A_20, %add3A : vector<128x128xf32>
    %get3A_25 = arith.constant 0 : index
    %get3A_26 = arith.constant 0 : index
    %get3A_27 = vector.load %arg3[%get3A_25, %get3A_26] : memref<128x128xf32, #tpu.memory_space<vmem>>, vector<128x128xf32>
    %get3A_28 = arith.constant 0 : index
    %get3A_29 = arith.constant 0 : index
    %get3A_30 = vector.load %arg9[%get3A_28, %get3A_29] : memref<128x128xf32, #tpu.memory_space<vmem>>, vector<128x128xf32>
    %dot_general3A_31 = arith.constant dense<0.000000e+00> : vector<128x128xf32>
    %dot_general3A_32 = tpu.matmul %get3A_27, %get3A_30, %dot_general3A_31 {dimension_numbers = #tpu.dot_dimension_numbers<[1], [1], [0], [0], [0, 0, 1, 0], [], []>, transpose_lhs_hint = false} : vector<128x128xf32>, vector<128x128xf32>, vector<128x128xf32> -> vector<128x128xf32>
    %add3A_33 = arith.addf %add3A_24, %dot_general3A_32 : vector<128x128xf32>
    %max3A_34 = arith.constant 0.000000e+00 : f32
    %max3A_35 = vector.broadcast %max3A_34 : f32 to vector<128x128xf32>
    %max3A_36 = arith.maximumf %add3A_33, %max3A_35 : vector<128x128xf32>
    %mul3A = arith.constant 128 : i32
    %mul3A_37 = arith.muli %arg0, %mul3A : i32
    %iota3A = tpu.iota {dimensions = array<i32: 0>} : vector<128x1xi32>
    %add3A_38 = vector.broadcast %mul3A_37 : i32 to vector<128x1xi32>
    %add3A_39 = arith.addi %add3A_38, %iota3A : vector<128x1xi32>
    %lt3A = arith.constant 10000 : i32
    %lt3A_40 = vector.broadcast %lt3A : i32 to vector<128x1xi32>
    %lt3A_41 = arith.cmpi slt, %add3A_39, %lt3A_40 : vector<128x1xi32>
    %jit3A = arith.constant 0xFF800000 : f32
    %broadcast_in_dim3A = vector.shape_cast %lt3A_41 : vector<128x1xi1> to vector<128x1xi1>
    %broadcast_in_dim3A_42 = vector.broadcast %broadcast_in_dim3A : vector<128x1xi1> to vector<128x128xi1>
    %broadcast_in_dim3A_43 = vector.broadcast %jit3A : f32 to vector<128x128xf32>
    %select_n3A = arith.select %broadcast_in_dim3A_42, %max3A_36, %broadcast_in_dim3A_43 : vector<128x128xi1>, vector<128x128xf32>
    %get3A_44 = arith.constant 0 : index
    %get3A_45 = arith.constant 0 : index
    %get3A_46 = vector.load %arg6[%get3A_44, %get3A_45] : memref<128x1xi32, #tpu.memory_space<vmem>>, vector<128x1xi32>
    %get3A_47 = arith.index_cast %arg0 : i32 to index
    %get3A_48 = memref.load %arg1[%get3A_47] : memref<79xi32, #tpu.memory_space<smem>>
    %get3A_49 = arith.index_cast %arg0 : i32 to index
    %get3A_50 = memref.load %arg2[%get3A_49] : memref<79xi32, #tpu.memory_space<smem>>
    %add3A_51 = arith.constant 1 : i32
    %add3A_52 = arith.addi %get3A_50, %add3A_51 : i32
    %while3A = arith.constant 0 : i32
    %while3A_53 = arith.subi %add3A_52, %get3A_48 : i32
    %while3A_54 = arith.addi %get3A_48, %while3A_53 : i32
    %while3A_55 = arith.constant 1 : i32
    %while3A_56 = arith.divsi %while3A_53, %while3A_55 : i32
    %while3A_57 = arith.muli %while3A_56, %while3A_55 : i32
    %while3A_58 = arith.addi %get3A_48, %while3A_57 : i32
    %while3A_59 = arith.constant 1 : i32
    scf.for %while3A_66 = %get3A_48 to %while3A_58 step %while3A_59  : i32 {
      %eq3A_67 = vector.broadcast %while3A_66 : i32 to vector<128x1xi32>
      %eq3A_68 = arith.cmpi eq, %get3A_46, %eq3A_67 : vector<128x1xi32>
      %jit3A_69 = arith.constant 0xFF800000 : f32
      %broadcast_in_dim3A_70 = vector.shape_cast %eq3A_68 : vector<128x1xi1> to vector<128x1xi1>
      %broadcast_in_dim3A_71 = vector.broadcast %broadcast_in_dim3A_70 : vector<128x1xi1> to vector<128x128xi1>
      %broadcast_in_dim3A_72 = vector.broadcast %jit3A_69 : f32 to vector<128x128xf32>
      %select_n3A_73 = arith.select %broadcast_in_dim3A_71, %select_n3A, %broadcast_in_dim3A_72 : vector<128x128xi1>, vector<128x128xf32>
      %reduce_max3A = arith.constant dense<0xFF800000> : vector<128xf32>
      %reduce_max3A_74 = vector.multi_reduction <maximumf>, %select_n3A_73, %reduce_max3A [0] : vector<128x128xf32> to vector<128xf32>
      %broadcast_in_dim3A_75 = vector.shape_cast %reduce_max3A_74 : vector<128xf32> to vector<1x128xf32>
      %get3A_76 = arith.index_cast %while3A_66 : i32 to index
      %get3A_77 = arith.constant 0 : index
      %get3A_78 = vector.load %arg13[%get3A_76, %get3A_77] : memref<64x128xf32, #tpu.memory_space<vmem>>, vector<1x128xf32>
      %max3A_79 = arith.maximumf %get3A_78, %broadcast_in_dim3A_75 : vector<1x128xf32>
      %swap3A = arith.index_cast %while3A_66 : i32 to index
      %swap3A_80 = arith.constant 0 : index
      %swap3A_81 = vector.load %arg13[%swap3A, %swap3A_80] : memref<64x128xf32, #tpu.memory_space<vmem>>, vector<1x128xf32>
      tpu.vector_store %arg13[%swap3A, %swap3A_80], %max3A_79 {strides = array<i32>} : memref<64x128xf32, #tpu.memory_space<vmem>>, vector<1x128xf32>,
    }
    %while3A_60 = arith.constant 1 : i32
    scf.for %while3A_66 = %while3A_58 to %while3A_54 step %while3A_60  : i32 {
      %eq3A_67 = vector.broadcast %while3A_66 : i32 to vector<128x1xi32>
      %eq3A_68 = arith.cmpi eq, %get3A_46, %eq3A_67 : vector<128x1xi32>
      %jit3A_69 = arith.constant 0xFF800000 : f32
      %broadcast_in_dim3A_70 = vector.shape_cast %eq3A_68 : vector<128x1xi1> to vector<128x1xi1>
      %broadcast_in_dim3A_71 = vector.broadcast %broadcast_in_dim3A_70 : vector<128x1xi1> to vector<128x128xi1>
      %broadcast_in_dim3A_72 = vector.broadcast %jit3A_69 : f32 to vector<128x128xf32>
      %select_n3A_73 = arith.select %broadcast_in_dim3A_71, %select_n3A, %broadcast_in_dim3A_72 : vector<128x128xi1>, vector<128x128xf32>
      %reduce_max3A = arith.constant dense<0xFF800000> : vector<128xf32>
      %reduce_max3A_74 = vector.multi_reduction <maximumf>, %select_n3A_73, %reduce_max3A [0] : vector<128x128xf32> to vector<128xf32>
      %broadcast_in_dim3A_75 = vector.shape_cast %reduce_max3A_74 : vector<128xf32> to vector<1x128xf32>
      %get3A_76 = arith.index_cast %while3A_66 : i32 to index
      %get3A_77 = arith.constant 0 : index
      %get3A_78 = vector.load %arg13[%get3A_76, %get3A_77] : memref<64x128xf32, #tpu.memory_space<vmem>>, vector<1x128xf32>
      %max3A_79 = arith.maximumf %get3A_78, %broadcast_in_dim3A_75 : vector<1x128xf32>
      %swap3A = arith.index_cast %while3A_66 : i32 to index
      %swap3A_80 = arith.constant 0 : index
      %swap3A_81 = vector.load %arg13[%swap3A, %swap3A_80] : memref<64x128xf32, #tpu.memory_space<vmem>>, vector<1x128xf32>
      tpu.vector_store %arg13[%swap3A, %swap3A_80], %max3A_79 {strides = array<i32>} : memref<64x128xf32, #tpu.memory_space<vmem>>, vector<1x128xf32>,
    }
    %eq3A_61 = arith.constant 78 : i32
    %eq3A_62 = arith.cmpi eq, %arg0, %eq3A_61 : i32
    %convert_element_type3A_63 = arith.extui %eq3A_62 : i1 to i32
    %cond3A_64 = arith.constant 0 : i32
    %cond3A_65 = arith.cmpi ne, %convert_element_type3A_63, %cond3A_64 : i32
    scf.if %cond3A_65 {
      %get3A_66 = arith.constant 0 : index
      %get3A_67 = arith.constant 0 : index
      %get3A_68 = vector.load %arg13[%get3A_66, %get3A_67] : memref<64x128xf32, #tpu.memory_space<vmem>>, vector<64x128xf32>
      %is_finite3A = tpu.weird %get3A_68 : vector<64x128xf32> -> vector<64x128xi1>
      %is_finite3A_69 = arith.constant dense<true> : vector<64x128xi1>
      %is_finite3A_70 = arith.xori %is_finite3A, %is_finite3A_69 : vector<64x128xi1>
      %jit3A_71 = arith.constant 0.000000e+00 : f32
      %broadcast_in_dim3A_72 = vector.broadcast %jit3A_71 : f32 to vector<64x128xf32>
      %select_n3A_73 = arith.select %is_finite3A_70, %get3A_68, %broadcast_in_dim3A_72 : vector<64x128xi1>, vector<64x128xf32>
      %get3A_74 = arith.constant 0 : index
      %get3A_75 = arith.constant 0 : index
      %get3A_76 = vector.load %arg10[%get3A_74, %get3A_75] : memref<8x128xf32, #tpu.memory_space<vmem>>, vector<8x128xf32>
      %dot_general3A_77 = arith.constant dense<0.000000e+00> : vector<64x8xf32>
      %dot_general3A_78 = tpu.matmul %select_n3A_73, %get3A_76, %dot_general3A_77 {dimension_numbers = #tpu.dot_dimension_numbers<[1], [1], [0], [0], [0, 0, 1, 0], [], []>, transpose_lhs_hint = false} : vector<64x128xf32>, vector<8x128xf32>, vector<64x8xf32> -> vector<64x8xf32>
      %get3A_79 = arith.constant 0 : index
      %get3A_80 = arith.constant 0 : index
      %get3A_81 = vector.load %arg11[%get3A_79, %get3A_80] : memref<1x8xf32, #tpu.memory_space<vmem>>, vector<1x8xf32>
      %add3A_82 = vector.broadcast %get3A_81 : vector<1x8xf32> to vector<64x8xf32>
      %add3A_83 = arith.addf %dot_general3A_78, %add3A_82 : vector<64x8xf32>
      %reduce_max3A = arith.constant dense<0xFF800000> : vector<64xf32>
      %reduce_max3A_84 = vector.multi_reduction <maximumf>, %add3A_83, %reduce_max3A [1] : vector<64x8xf32> to vector<64xf32>
      %broadcast_in_dim3A_85 = vector.shape_cast %reduce_max3A_84 : vector<64xf32> to vector<64x1xf32>
      %sub3A = vector.broadcast %broadcast_in_dim3A_85 : vector<64x1xf32> to vector<64x8xf32>
      %sub3A_86 = arith.subf %add3A_83, %sub3A : vector<64x8xf32>
      %exp3A = math.exp %sub3A_86 : vector<64x8xf32>
      %reduce_sum3A = arith.constant dense<0.000000e+00> : vector<64xf32>
      %reduce_sum3A_87 = vector.multi_reduction <add>, %exp3A, %reduce_sum3A [1] : vector<64x8xf32> to vector<64xf32>
      %broadcast_in_dim3A_88 = vector.shape_cast %reduce_sum3A_87 : vector<64xf32> to vector<64x1xf32>
      %log3A = math.log %broadcast_in_dim3A_88 : vector<64x1xf32>
      %add3A_89 = arith.addf %log3A, %broadcast_in_dim3A_85 : vector<64x1xf32>
      %sub3A_90 = vector.broadcast %add3A_89 : vector<64x1xf32> to vector<64x8xf32>
      %sub3A_91 = arith.subf %add3A_83, %sub3A_90 : vector<64x8xf32>
      %swap3A = arith.constant 0 : index
      %swap3A_92 = arith.constant 0 : index
      %swap3A_93 = vector.load %arg12[%swap3A, %swap3A_92] : memref<64x8xf32, #tpu.memory_space<vmem>>, vector<64x8xf32>
      tpu.vector_store %arg12[%swap3A, %swap3A_92], %sub3A_91 {strides = array<i32>} : memref<64x8xf32, #tpu.memory_space<vmem>>, vector<64x8xf32>,
    } else {
    }
    return
  }
  func.func @transform_0(%arg0: i32, %arg1: memref<79xi32, #tpu.memory_space<smem>>, %arg2: memref<79xi32, #tpu.memory_space<smem>>) -> (i32, i32) {
    %c0_i32 = arith.constant 0 : i32
    %c0_i32_0 = arith.constant 0 : i32
    return %arg0, %c0_i32 : i32, i32
  }
  func.func @transform_1(%arg0: i32, %arg1: memref<79xi32, #tpu.memory_space<smem>>, %arg2: memref<79xi32, #tpu.memory_space<smem>>) -> (i32, i32, i32) {
    %c0_i32 = arith.constant 0 : i32
    %c0_i32_0 = arith.constant 0 : i32
    %c0_i32_1 = arith.constant 0 : i32
    return %c0_i32, %arg0, %c0_i32_0 : i32, i32, i32
  }
  func.func @transform_2(%arg0: i32, %arg1: memref<79xi32, #tpu.memory_space<smem>>, %arg2: memref<79xi32, #tpu.memory_space<smem>>) -> (i32, i32) {
    %c0_i32 = arith.constant 0 : i32
    %c0_i32_0 = arith.constant 0 : i32
    return %arg0, %c0_i32 : i32, i32
  }
  func.func @transform_3(%arg0: i32, %arg1: memref<79xi32, #tpu.memory_space<smem>>, %arg2: memref<79xi32, #tpu.memory_space<smem>>) -> (i32, i32) {
    %c0_i32 = arith.constant 0 : i32
    %c0_i32_0 = arith.constant 0 : i32
    return %arg0, %c0_i32 : i32, i32
  }
  func.func @transform_4(%arg0: i32, %arg1: memref<79xi32, #tpu.memory_space<smem>>, %arg2: memref<79xi32, #tpu.memory_space<smem>>) -> (i32, i32) {
    %c0_i32 = arith.constant 0 : i32
    %c0_i32_0 = arith.constant 0 : i32
    %c0_i32_1 = arith.constant 0 : i32
    return %c0_i32, %c0_i32_0 : i32, i32
  }
  func.func @transform_5(%arg0: i32, %arg1: memref<79xi32, #tpu.memory_space<smem>>, %arg2: memref<79xi32, #tpu.memory_space<smem>>) -> (i32, i32) {
    %c0_i32 = arith.constant 0 : i32
    %c0_i32_0 = arith.constant 0 : i32
    %c0_i32_1 = arith.constant 0 : i32
    return %c0_i32, %c0_i32_0 : i32, i32
  }
  func.func @transform_6(%arg0: i32, %arg1: memref<79xi32, #tpu.memory_space<smem>>, %arg2: memref<79xi32, #tpu.memory_space<smem>>) -> (i32, i32) {
    %c0_i32 = arith.constant 0 : i32
    %c0_i32_0 = arith.constant 0 : i32
    %c0_i32_1 = arith.constant 0 : i32
    return %c0_i32, %c0_i32_0 : i32, i32
  }
  func.func @transform_7(%arg0: i32, %arg1: memref<79xi32, #tpu.memory_space<smem>>, %arg2: memref<79xi32, #tpu.memory_space<smem>>) -> (i32, i32) {
    %c0_i32 = arith.constant 0 : i32
    %c0_i32_0 = arith.constant 0 : i32
    %c0_i32_1 = arith.constant 0 : i32
    return %c0_i32, %c0_i32_0 : i32, i32
  }
  func.func @transform_8(%arg0: i32, %arg1: memref<79xi32, #tpu.memory_space<smem>>, %arg2: memref<79xi32, #tpu.memory_space<smem>>) -> (i32, i32) {
    %c0_i32 = arith.constant 0 : i32
    %c0_i32_0 = arith.constant 0 : i32
    %c0_i32_1 = arith.constant 0 : i32
    return %c0_i32, %c0_i32_0 : i32, i32
  }
  func.func @transform_9(%arg0: i32, %arg1: memref<79xi32, #tpu.memory_space<smem>>, %arg2: memref<79xi32, #tpu.memory_space<smem>>) -> (i32, i32) {
    %c0_i32 = arith.constant 0 : i32
    %c0_i32_0 = arith.constant 0 : i32
    %c0_i32_1 = arith.constant 0 : i32
    return %c0_i32, %c0_i32_0 : i32, i32
  }
}

</mosaic_0001>

<sc_bundles>
// kernel: kernel.4.cloned.1.call-start
scs
__scs_entry_jumppad:
0x0: {  	(pc) =	sbr.rel $0x88, $3  }
0x1: {  	(tag) =	ssettag $0x0;
	lr =	simm.s32 $0x1  }
0x2: {  	[smem:$0x3F99] =	sst lr;
	_ =	strace $0xD0000000  }
0x3: {  	_ = 	snop  }
0x4: {  	_ = 	snop  }
0x5: {  	_ = 	snop  }
0x6: {  	_ = 	snop  }
0x7: {  	_ = 	snop  }
__scs_overlays_trampoline_lowered:
0x8: {  	[smem:$0x3FA8] =	sst s0  }
0x9: {  	[smem:$0x3FA9] =	sst s1  }
0xa: {  	[smem:$0x3FAA] =	sst s2  }
0xb: {  	[smem:$0x3FAB] =	sst s3  }
0xc: {  	[smem:$0x3FAC] =	sst s4  }
0xd: {  	[smem:$0x3FAD] =	sst s5  }
0xe: {  	[smem:$0x3FAE] =	sst s6  }
0xf: {  	[smem:$0x3FAF] =	sst s7  }
0x10: {  	[smem:$0x3FB0] =	sst s8  }
0x11: {  	[smem:$0x3FB1] =	sst s9;
	s0 =	simm.s32 @!p0 $0x0  }
0x12: {  	s1 =	sld [smem:$0x3F97];
	s0 =	simm.s32 @p0 $0x1  }
0x13: {  	[smem:$0x3FB2] =	sst s0;
	s0 =	simm.s32 @!p1 $0x0  }
0x14: {  	s2 =	sld [smem:$0x3F96];
	s0 =	simm.s32 @p1 $0x1  }
0x15: {  	[smem:$0x3FB3] =	sst s0;
	s0 =	simm.s32 @!p2 $0x0  }
0x16: {  	s3 =	sld [smem:$0x3FDB];
	s0 =	simm.s32 @p2 $0x1  }
0x17: {  	s4 =	simm.s32 $0x1BF5;
	[smem:$0x3FB5] =	sst s0  }
0x18: {  	s0 =	sld [smem:$0x3F98];
	_ =	swait.ge [sflag:s4], $0x0  }
0x19: {  	s7 =	sld [smem:$0x3F99]  }
0x1a: {  	s8 =	sadd.s32 $0xFFFFE003, lr  }
0x1b: {  	s9 =	sadd.s32 $0xFFFFFEF7, lr;
	s5 =	simm.s32 $0xFFFFFFFF;
	p2 =	slt.u32 s8, $0xFFFFF086  }
0x1c: {  	p1 =	slt.u32 s9, $0xF7A;
	s5 =	simm.s32 @!p2 $0x0  }
0x1d: {  	s5 =	simm.s32 @p1 $0x1;
	p0 =	seq.s32 s7, s2  }
0x1e: {  	s7 =	smul.u32 @!p0 $0xF7A, s2;
	p2 =	seq.s32 @!p0 s5, $0x0  }
0x1f: {  	s9 =	smul.u32 $0xF7A, s1;
	s8 =	simm.s32 @!p0 $0x1BF5;
	p2 =	por !p2, p0  }
0x20: {  	[sflag:s8] =	ssyncset.s32 @!p0 $0xFFFFF086;
	s6 =	sadd.s32 @!p0 s3, s7;
	s7 =	simm.s32 @!p0 $0x108  }
0x21: {  	s3 =	sadd.s32 s3, s9;
	s6 =	sadd.s32 @!p0 $0x88, s6;
	s7 =	simm.s32 @p2 $0x1082  }
0x22: {  	[simem:s7], [sflag:s8] =	dma.local @!p0 [hbm:s6], $0xF7A  }
0x23: {  	s9 =	sor.u32 $0xD0000000, s2;
	s6 =	simm.s32 $0x108;
	_ =	swait.ge @!p0 [sflag:s8], $0x0  }
0x24: {  	s3 =	sadd.s32 $0x88, s3;
	s6 =	simm.s32 @!p1 $0x1082;
	[sflag:s4] =	ssyncset.s32 $0xFFFFF086  }
0x25: {  	[simem:s6], [sflag:s4] =	dma.local [hbm:s3], $0xF7A  }
0x26: {  	[smem:$0x3F99] =	sst s1;
	(tag) =	ssettag s2;
	_ =	strace s9  }
0x27: {  	s1 =	sld [smem:$0x3FA9]  }
0x28: {  	s2 =	sld [smem:$0x3FAA]  }
0x29: {  	s4 =	sld [smem:$0x3FAC]  }
0x2a: {  	p0 =	seq.s32 s5, $0x0;
	s5 =	sld [smem:$0x3FAD]  }
0x2b: {  	s6 =	sld [smem:$0x3FAE]  }
0x2c: {  	s7 =	sld [smem:$0x3FAF]  }
0x2d: {  	s3 =	simm.s32 $0x108;
	s8 =	sld [smem:$0x3FB0]  }
0x2e: {  	s3 =	simm.s32 @!p0 $0x1082;
	s9 =	sld [smem:$0x3FB1]  }
0x2f: {  	lr =	sadd.s32 s0, s3;
	s0 =	sld [smem:$0x3FA8]  }
0x30: {  	s3 =	sld [smem:$0x3FAB]  }
0x31: {  	[smem:$0x3FB4] =	sst s10  }
0x32: {  	s10 =	sld [smem:$0x3FB2];
	_ =	sdelay $0x3  }
0x33: {  	p0 =	seq.s32 s10, $0x1;
	s10 =	sld [smem:$0x3FB4];
	_ =	sdelay $0x3  }
0x34: {  	[smem:$0x3FB4] =	sst s10  }
0x35: {  	s10 =	sld [smem:$0x3FB3];
	_ =	sdelay $0x3  }
0x36: {  	p1 =	seq.s32 s10, $0x1;
	s10 =	sld [smem:$0x3FB4];
	_ =	sdelay $0x3  }
0x37: {  	[smem:$0x3FB4] =	sst s10  }
0x38: {  	s10 =	sld [smem:$0x3FB5]  }
0x39: {  	_ = 	snop;
	(pc) =	sbr.ind lr, $3  }
0x3a: {  	_ = 	snop  }
0x3b: {  	_ = 	snop  }
0x3c: {  	p2 =	seq.s32 s10, $0x1;
	s10 =	sld [smem:$0x3FB4]  }
0x3d: {  	_ =	shalt  }
0x3e: {  	_ =	shalt  }
0x3f: {  	_ =	shalt  }
0x40: {  	_ =	shalt  }
0x41: {  	_ =	shalt  }
0x42: {  	_ =	shalt  }
0x43: {  	_ =	shalt  }
0x44: {  	_ =	shalt  }
0x45: {  	_ =	shalt  }
0x46: {  	_ =	shalt  }
0x47: {  	_ =	shalt  }
0x48: {  	_ =	shalt  }
0x49: {  	_ =	shalt  }
0x4a: {  	_ =	shalt  }
0x4b: {  	_ =	shalt  }
0x4c: {  	_ =	shalt  }
0x4d: {  	_ =	shalt  }
0x4e: {  	_ =	shalt  }
0x4f: {  	_ =	shalt  }
0x50: {  	_ =	shalt  }
0x51: {  	_ =	shalt  }
0x52: {  	_ =	shalt  }
0x53: {  	_ =	shalt  }
0x54: {  	_ =	shalt  }
0x55: {  	_ =	shalt  }
0x56: {  	_ =	shalt  }
0x57: {  	_ =	shalt  }
0x58: {  	_ =	shalt  }
0x59: {  	_ =	shalt  }
0x5a: {  	_ =	shalt  }
0x5b: {  	_ =	shalt  }
0x5c: {  	_ =	shalt  }
0x5d: {  	_ =	shalt  }
0x5e: {  	_ =	shalt  }
0x5f: {  	_ =	shalt  }
0x60: {  	_ =	shalt  }
0x61: {  	_ =	shalt  }
0x62: {  	_ =	shalt  }
0x63: {  	_ =	shalt  }
0x64: {  	_ =	shalt  }
0x65: {  	_ =	shalt  }
0x66: {  	_ =	shalt  }
0x67: {  	_ =	shalt  }
0x68: {  	_ =	shalt  }
0x69: {  	_ =	shalt  }
0x6a: {  	_ =	shalt  }
0x6b: {  	_ =	shalt  }
0x6c: {  	_ =	shalt  }
0x6d: {  	_ =	shalt  }
0x6e: {  	_ =	shalt  }
0x6f: {  	_ =	shalt  }
0x70: {  	_ =	shalt  }
0x71: {  	_ =	shalt  }
0x72: {  	_ =	shalt  }
0x73: {  	_ =	shalt  }
0x74: {  	_ =	shalt  }
0x75: {  	_ =	shalt  }
0x76: {  	_ =	shalt  }
0x77: {  	_ =	shalt  }
0x78: {  	_ =	shalt  }
0x79: {  	_ =	shalt  }
0x7a: {  	_ =	shalt  }
0x7b: {  	_ =	shalt  }
0x7c: {  	_ =	shalt  }
0x7d: {  	_ =	shalt  }
0x7e: {  	_ =	shalt  }
0x7f: {  	_ =	shalt  }
0x80: {  	_ =	shalt  }
0x81: {  	_ =	shalt  }
0x82: {  	_ =	shalt  }
0x83: {  	_ =	shalt  }
0x84: {  	_ =	shalt  }
0x85: {  	_ =	shalt  }
0x86: {  	_ =	shalt  }
0x87: {  	_ =	shalt  }
.Lfunc_end0:
.L_simem_size_0:
called_computation_lowered:
.L_overlay_start_0:
0x88: {  	s2 =	sld [smem:$0x3FD9]  }
0x89: {  	s3 =	sld [smem:$0x3FFE];
	_ =	sdelay $0x1  }
0x8a: {  	s1 =	srdreg.scid  }
0x8b: {  	s0 =	sand.u32 $0x1, s1  }
0x8c: {  	s16 =	sshll.u32 s0, $0xA;
	s2 =	sadd.s32 s3, s2  }
0x8d: {  	s2 =	sadd.s32 s2, s16  }
0x8e: {  	[smem:$0x3FC0] =	sst s2  }
0x8f: {  	_ = 	snop  }
0x90: {  	(tm) =	ssettm $0x1  }
0x91: {  	s17 =	sld [smem:$0x3FFB];
	_ =	sdelay $0x3  }
0x92: {  	_ =	strace s17  }
0x93: {  	s2 =	sld [smem:$0x3FFC];
	_ =	sdelay $0x3  }
0x94: {  	_ =	strace s2  }
0x95: {  	s2 =	sld [smem:$0x3FFD];
	_ =	sdelay $0x3  }
0x96: {  	_ =	strace s2  }
0x97: {  	_ =	strace $0x8FFFFFFF  }
0x98: {  	s18 =	sld [smem:$0x3FDB];
	_ =	sdelay $0x1  }
0x99: {  	s19 =	simm.s32 $_scs_section_size  }
0x9a: {  	s4 =	simm.s32 $_size__tile_overlayer_lowered;
	s5 =	simm.s32 $_tile_overlayer_lowered  }
0x9b: {  	s22 =	simm.s32 $0x1BFF;
	s21 =	sshll.u32 s5, $0x1;
	s2 =	sadd.s32 s19, s18  }
0x9c: {  	s6 =	simm.s32 $0x0;
	s20 =	sshll.u32 s4, $0x1;
	s4 =	sadd.s32 s21, s2  }
0x9d: {  	[timem:s6], [sflag:s22] =	dma.local [hbm:s4], s20  }
0x9e: {  	_ =	swait.ge [sflag:s22], s20  }
0x9f: {  	s3 =	ssub.s32 $0x0, s20;
	[sflag:s22] =	ssyncset.done $0x0  }
0xa0: {  	[sflag:s22] =	ssyncadd.s32 s3;
	_ =	sdelay $0x1  }
0xa1: {  	s23 =	simm.s32 $0x1B8B  }
0xa2: {  	_ =	swait.ge [sflag:s23], $0x1  }
0xa3: {  	[sflag:s23] =	ssyncset.done $0x0  }
0xa4: {  	s25 =	simm.s32 $0x1B8E;
	s24 =	sld [smem:$0x3FFE];
	[sflag:s23] =	ssyncadd.s32 $0xFFFFFFFF  }
0xa5: {  	s26 =	simm.s32 $execute0_lowered;
	[smem:$0x3FD2] =	sst s25  }
0xa6: {  	s4 =	sshll.u32 s26, $0x1;
	_ =	strace $0x80000046;
	[dreg:$0x1] =	wrdreg $0xFFFFFFFF  }
0xa7: {  	s28 =	simm.s32 $_size_execute0_lowered;
	s2 =	sadd.s32 s2, s4;
	[dreg:$0x0] =	wrdreg $0x0  }
0xa8: {  	s4 =	sshll.u32 s28, $0x1;
	[dreg:$0x2] =	wrdreg s2  }
0xa9: {  	[dreg:$0x3] =	wrdreg s4  }
0xaa: {  	[dreg:$0x4] =	wrdreg $0xC0  }
0xab: {  	_ =	task [dreg:s6], $0x5FFFF  }
0xac: {  	[dreg:$0x1] =	wrdreg $0xFFFFFFFF  }
0xad: {  	[dreg:$0x0] =	wrdreg $0x60  }
0xae: {  	[dreg:$0x2] =	wrdreg s24  }
0xaf: {  	[dreg:$0x3] =	wrdreg $0xCD000  }
0xb0: {  	[dreg:$0x4] =	wrdreg $0x16D000  }
0xb1: {  	[dreg:$0x5] =	wrdreg $0x9  }
0xb2: {  	_ =	task.clear_ibuf [dreg:s6], $0x6FFFF;
	_ =	strace $0x90000046  }
0xb3: {  	s29 =	simm.s32 $0x9;
	_ =	strace $0x80000048  }
0xb4: {  	_ =	swait.ge [sflag:s29], $0x1  }
0xb5: {  	[sflag:s29] =	ssyncadd.s32 $0xFFFFFFFF  }
0xb6: {  	_ =	strace $0x90000048  }
0xb7: {  	_ =	sfence  }
0xb8: {  	s30 =	sld [smem:$0x0];
	_ =	sdelay $0x2  }
0xb9: {  	s31 =	sshll.u32 s1, $0xD;
	s1 =	sshrl.u32 s1, $0x2  }
0xba: {  	s3 =	sand.u32 $0x4000, s31;
	s1 =	sadd.s32 s1, s30  }
0xbb: {  	s0 =	sor.u32 s3, s0;
	s1 =	sshll.u32 s1, $0x11  }
0xbc: {  	s0 =	sor.u32 s1, s0  }
0xbd: {  	s0 =	sadd.s32 $0x8F2B, s0  }
0xbe: {  	[sflag:s0] =	ssyncadd.remote.s32 $0x1  }
0xbf: {  	_ =	sfence.sel $0xFFFF  }
0xc0: {  	[dreg:$0x0] =	wrdreg $0xFFFFFFFF;
	(pc) =	sbr.abs _section_cstart, $3  }
0xc1: {  	[dreg:$0x1] =	wrdreg $0xFFFFFFFF  }
0xc2: {  	_ =	task.clear_ibuf [dreg:s6], $0x2FFFF;
	_ =	strace $0x9FFFFFFF  }
0xc3: {  	(tm) =	ssettm $0x7FFFFFFF  }
tec
execute0_lowered:
.L_overlay_start_1:
0x0: {  	(tag) =	ssettag $0x1  }
0x1: {  	s3 =	rddreg [dreg:$0x0]  }
0x2: {  	s1 =	rddreg [dreg:$0x1]  }
0x3: {  	s2 =	rddreg [dreg:$0x2];
	s18 =	stileid.u32  }
0x4: {  	s0 =	srdreg.scid;
	s6 =	smul.u32 $0x9D0, s18  }
0x5: {  	s4 =	simm.s32 $0x0;
	s31 =	simm.s32 $0x9D00;
	s10 =	smul.u32 $0x280, s18  }
0x6: {  	s5 =	sand.u32 $0x1, s0;
	[smem:$0x7FF] =	sst s4;
	s28 =	smul.u32 $0x2800, s18  }
0x7: {  	s8 =	sadd.s32 $0x3C000, s3;
	s0 =	smul.u32 $0x13880, s5;
	_ =	strace $0x80000047  }
0x8: {  	s7 =	ssub.s32 $0x2, s5;
	s13 =	smul.u32 $0xA0000, s5;
	p0 =	sne.s32 s5, $0x0  }
0x9: {  	s5 =	simm.s32 $0x1;
	s6 =	sadd.s32 s6, s3;
	s9 =	sshrl.u32 s7, $0x1  }
0xa: {  	s11 =	sadd.s32 $0x80, s10;
	s12 =	sadd.s32 $0x100, s10;
	s14 =	sadd.s32 $0x180, s10  }
0xb: {  	s10 =	sadd.s32 $0x200, s10;
	s0 =	sadd.s32 s0, s3;
	s3 =	sadd.s32 $0x64000, s3  }
0xc: {  	s7 =	ssub.s32 s7, s9;
	s9 =	smul.u32 $0xA000, s18;
	s16 =	sshll.u32 s11, $0x6  }
0xd: {  	s20 =	sshll.u32 s12, $0x6;
	s21 =	sshll.u32 s14, $0x6;
	s22 =	sshll.u32 s10, $0x6  }
0xe: {  	s11 =	sshll.u32 s11, $0x1;
	s18 =	sshll.u32 s14, $0x1;
	s10 =	sshll.u32 s10, $0x1  }
0xf: {  	s17 =	sadd.s32 s13, s16;
	s23 =	sadd.s32 s13, s20;
	s25 =	sadd.s32 s13, s21  }
0x10: {  	s14 =	sadd.s32 s3, s10;
	s29 =	smax.u32 s7, $0x1;
	s15 =	sadd.s32 s9, s13  }
0x11: {  	s19 =	sshrl.u32 s17, $0x3;
	s24 =	sshrl.u32 s23, $0x3;
	s17 =	sshrl.u32 s25, $0x3  }
0x12: {  	s13 =	sadd.s32 s13, s22;
	s23 =	sshrl.u32 s16, $0x2;
	s16 =	sadd.s32 s16, s1  }
0x13: {  	s25 =	sshrl.u32 s21, $0x2;
	s15 =	sshrl.u32 s15, $0x3;
	s26 =	sadd.s32 s8, s17  }
0x14: {  	s13 =	sshrl.u32 s13, $0x3;
	s15 =	sadd.s32 s8, s15;
	[dreg:$0x7] =	wrdreg s26  }
0x15: {  	s17 =	sshll.u32 s12, $0x1;
	[dreg:$0x4] =	wrdreg s15;
	s15 =	sadd.s32 s8, s19  }
0x16: {  	s26 =	sshrl.u32 s22, $0x2;
	[dreg:$0x5] =	wrdreg s15;
	s15 =	sadd.s32 s8, s24  }
0x17: {  	s19 =	sshrl.u32 s9, $0x2;
	s8 =	sadd.s32 s8, s13;
	[dreg:$0x6] =	wrdreg s15  }
0x18: {  	s13 =	sshrl.u32 s28, $0x3;
	s24 =	sshrl.u32 s20, $0x2;
	[dreg:$0x8] =	wrdreg s8  }
0x19: {  	s8 =	sadd.s32 s3, s13;
	s15 =	sadd.s32 s3, s11;
	s13 =	sadd.s32 s3, s18  }
0x1a: {  	s18 =	sadd.s32 s23, s2;
	s23 =	sadd.s32 s25, s2;
	[dreg:$0x9] =	wrdreg s8  }
0x1b: {  	s25 =	sadd.s32 $0x32200, s6;
	[dreg:$0xa] =	wrdreg s15;
	s8 =	sadd.s32 s3, s17  }
0x1c: {  	s15 =	sadd.s32 s9, s1;
	s17 =	sadd.s32 s19, s2;
	s19 =	sadd.s32 s20, s1  }
0x1d: {  	s20 =	sadd.s32 s21, s1;
	s21 =	sadd.s32 s22, s1;
	s22 =	sadd.s32 s24, s2  }
0x1e: {  	s24 =	sadd.s32 s26, s2;
	s26 =	sadd.s32 $0x28400, s6;
	s3 =	sadd.s32 s28, s2  }
0x1f: {  	s28 =	sadd.s32 $0x1200, s0;
	s0 =	simm.s32 $0x2;
	s6 =	simm.s32 $0x3  }
0x20: {  	v0 =	vimm.f32 $0.0e+00;
	v1 =	vimm.f32 $1.000000000e+00;
	[dreg:$0xb] =	wrdreg s8;
	s30 =	sshrl.u32 @!p0 s3, $0x3;
	s3 =	simm.s32 $0x80  }
.LBB2_1:
0x21: {  	s7 =	simm.s32 $0x9D20  }
0x22: {  	[tilespmem:s7+$0xFFFFFFE0] =	vst v0  }
0x23: {  	[tilespmem:s7+$0x10] =	vst v0  }
0x24: {  	[tilespmem:s7+$0x0] =	vst v0  }
0x25: {  	s8 =	simm.s32 $0x40;
	s9 =	simm.s32 $0x0;
	[tilespmem:s7+$0xFFFFFFF0] =	vst v0  }
.LBB2_2:
0x26: {  	p1 =	sne.s32 s8, $0x1FC0  }
0x27: {  	[tilespmem:s9+$0xBD00] =	vst v1;
	s7 =	sadd.s32 $0x40, s7;
	s10 =	smov.u32 s8;
	s8 =	sadd.s32 $0x40, s8  }
.Ltmp0:
0x28: {  	[tilespmem:s9+$0xC500] =	vst v0;
	(pc) =	sbr.rel @p1 .LBB2_2-.Ltmp0, $4  }
0x29: {  	[tilespmem:s7+$0xFFFFFFE0] =	vst v0  }
0x2a: {  	[tilespmem:s7+$0x10] =	vst v0  }
0x2b: {  	[tilespmem:s7+$0x0] =	vst v0  }
0x2c: {  	s9 =	sshra.s32 s10, $0x2;
	[tilespmem:s7+$0xFFFFFFF0] =	vst v0  }
0x2d: {  	[tilespmem:s9+$0xBD00] =	vst v1  }
0x2e: {  	[tilespmem:s9+$0xC500] =	vst v0  }
0x2f: {  	[spmem:s15] =	stream.linear.scatter [tilespmem:s31], [sflag:$0x2], $0x2000, $0x38;
	[tilespmem:$0x19500] =	vst v63  }
0x30: {  	_ =	swait.ge [sflag:s0], $0x2000  }
0x31: {  	[sflag:s0] =	ssyncset.done $0x0  }
0x32: {  	[sflag:s0] =	ssyncadd.s32 $0xFFFFE000  }
0x33: {  	[spmem:s16] =	stream.linear.scatter [tilespmem:s31], [sflag:$0x2], $0x2000, $0x38;
	[tilespmem:$0x19500] =	vst v63  }
0x34: {  	_ =	swait.ge [sflag:s0], $0x2000  }
0x35: {  	[sflag:s0] =	ssyncset.done $0x0  }
0x36: {  	[sflag:s0] =	ssyncadd.s32 $0xFFFFE000  }
0x37: {  	[spmem:s19] =	stream.linear.scatter [tilespmem:s31], [sflag:$0x2], $0x2000, $0x38;
	[tilespmem:$0x19500] =	vst v63  }
0x38: {  	_ =	swait.ge [sflag:s0], $0x2000  }
0x39: {  	[sflag:s0] =	ssyncset.done $0x0  }
0x3a: {  	[sflag:s0] =	ssyncadd.s32 $0xFFFFE000  }
0x3b: {  	[spmem:s20] =	stream.linear.scatter [tilespmem:s31], [sflag:$0x2], $0x2000, $0x38;
	[tilespmem:$0x19500] =	vst v63  }
0x3c: {  	_ =	swait.ge [sflag:s0], $0x2000  }
0x3d: {  	[sflag:s0] =	ssyncset.done $0x0  }
0x3e: {  	[sflag:s0] =	ssyncadd.s32 $0xFFFFE000  }
0x3f: {  	[spmem:s21] =	stream.linear.scatter [tilespmem:s31], [sflag:$0x2], $0x2000, $0x38;
	[tilespmem:$0x19500] =	vst v63  }
0x40: {  	_ =	swait.ge [sflag:s0], $0x2000  }
0x41: {  	[sflag:s0] =	ssyncset.done $0x0  }
0x42: {  	s8 =	simm.s32 @!p0 $0xC500;
	s7 =	simm.s32 @!p0 $0x2;
	[sflag:s0] =	ssyncadd.s32 $0xFFFFE000  }
0x43: {  	[spmem:s17] =	stream.linear.scatter @!p0 [tilespmem:s8], [sflag:$0x2], $0x800, $0x38;
	[tilespmem:$0x19500] =	vst v63  }
0x44: {  	_ =	swait.ge @!p0 [sflag:s7], $0x800  }
0x45: {  	[sflag:s7] =	ssyncset.done @!p0 $0x0  }
0x46: {  	[sflag:s7] =	ssyncadd.s32 @!p0 $0xFFFFF800  }
0x47: {  	[spmem:s18] =	stream.linear.scatter @!p0 [tilespmem:s8], [sflag:$0x2], $0x800, $0x38;
	[tilespmem:$0x19500] =	vst v63  }
0x48: {  	_ =	swait.ge @!p0 [sflag:s7], $0x800  }
0x49: {  	[sflag:s7] =	ssyncset.done @!p0 $0x0  }
0x4a: {  	[sflag:s7] =	ssyncadd.s32 @!p0 $0xFFFFF800  }
0x4b: {  	[spmem:s22] =	stream.linear.scatter @!p0 [tilespmem:s8], [sflag:$0x2], $0x800, $0x38;
	[tilespmem:$0x19500] =	vst v63  }
0x4c: {  	_ =	swait.ge @!p0 [sflag:s7], $0x800  }
0x4d: {  	[sflag:s7] =	ssyncset.done @!p0 $0x0  }
0x4e: {  	[sflag:s7] =	ssyncadd.s32 @!p0 $0xFFFFF800  }
0x4f: {  	[spmem:s23] =	stream.linear.scatter @!p0 [tilespmem:s8], [sflag:$0x2], $0x800, $0x38;
	[tilespmem:$0x19500] =	vst v63  }
0x50: {  	_ =	swait.ge @!p0 [sflag:s7], $0x800  }
0x51: {  	[sflag:s7] =	ssyncset.done @!p0 $0x0  }
0x52: {  	[sflag:s7] =	ssyncadd.s32 @!p0 $0xFFFFF800  }
0x53: {  	[spmem:s24] =	stream.linear.scatter @!p0 [tilespmem:s8], [sflag:$0x2], $0x800, $0x38;
	[tilespmem:$0x19500] =	vst v63  }
0x54: {  	_ =	swait.ge @!p0 [sflag:s7], $0x800  }
0x55: {  	[sflag:s7] =	ssyncset.done @!p0 $0x0  }
0x56: {  	[sflag:s7] =	ssyncadd.s32 @!p0 $0xFFFFF800  }
0x57: {  	s10 =	simm.s32 $0x0;
	[bflag:$0x0] =	sbarrier.arrive $0xFFFF  }
0x58: {  	[tilespmem:s10], [sflag:$0x2] =	stream.linear.gather [hbm4b:s25+s10], $0x4E80, $0x38;
	[tilespmem:$0x19500] =	vst v63  }
0x59: {  	_ =	swait.ge [sflag:s0], $0x4E80  }
0x5a: {  	[sflag:s0] =	ssyncset.done $0x0  }
0x5b: {  	s11 =	simm.s32 $0x4E80;
	[sflag:s0] =	ssyncadd.s32 $0xFFFFB180  }
0x5c: {  	[tilespmem:s11], [sflag:$0x2] =	stream.linear.gather [hbm4b:s26+s10], $0x4E80, $0x38;
	[tilespmem:$0x19500] =	vst v63  }
0x5d: {  	_ =	swait.ge [sflag:s0], $0x4E80  }
0x5e: {  	[sflag:s0] =	ssyncset.done $0x0  }
0x5f: {  	s12 =	simm.s32 $0x0;
	[sflag:s0] =	ssyncadd.s32 $0xFFFFB180  }
0x60: {  	[tilespmem:s31], [sflag:$0x1] =	stream.indirect.gather [hbm4b:s28+s3], $0x40, s12, s3, $0xb8;
	[tilespmem:$0x19500] =	vst v63  }
0x61: {  	_ =	swait.ge [sflag:s5], $0x2000  }
0x62: {  	[sflag:s5] =	ssyncset.done $0x0  }
0x63: {  	s10 =	simm.s32 $0x4E80;
	[sflag:s5] =	ssyncadd.s32 $0xFFFFE000  }
0x64: {  	[spmem:s1] =	stream.indirect.scatter.add.f32 [tilespmem:s31], [sflag:$0x3], $0x40, s10, s3, $0xb8;
	[tilespmem:$0x19500] =	vst v63  }
0x65: {  	_ =	swait.ge [sflag:s6], $0x2000  }
0x66: {  	[sflag:s6] =	ssyncset.done $0x0  }
0x67: {  	s9 =	simm.s32 @!p0 $0xBD00;
	s8 =	simm.s32 @!p0 $0x80;
	[sflag:s6] =	ssyncadd.s32 $0xFFFFE000  }
0x68: {  	[spmem:s2] =	stream.indirect.scatter.add.f32 @!p0 [tilespmem:s9], [sflag:$0x2], $0x10, s10, s8, $0xb8;
	[tilespmem:$0x19500] =	vst v63  }
0x69: {  	_ =	swait.ge @!p0 [sflag:s7], $0x800  }
0x6a: {  	s11 =	simm.s32 $0x400;
	s10 =	simm.s32 $0x200;
	[sflag:s7] =	ssyncset.done @!p0 $0x0  }
.LBB2_4:
0x6b: {  	s12 =	sshra.s32 s10, $0x2  }
0x6c: {  	[sflag:s7] =	ssyncadd.s32 @!p0 $0xFFFFF800;
	s10 =	smov.u32 s11;
	s11 =	sadd.s32 $0x200, s11  }
0x6d: {  	[tilespmem:s31], [sflag:$0x1] =	stream.indirect.gather [hbm4b:s28+s3], $0x40, s12, s3, $0xb8;
	[tilespmem:$0x19500] =	vst v63  }
0x6e: {  	p1 =	sne.s32 s11, $0x13A00;
	_ =	swait.ge [sflag:s5], $0x2000  }
0x6f: {  	[sflag:s5] =	ssyncset.done $0x0  }
0x70: {  	s12 =	sadd.s32 $0x4E80, s12;
	[sflag:s5] =	ssyncadd.s32 $0xFFFFE000  }
0x71: {  	[spmem:s1] =	stream.indirect.scatter.add.f32 [tilespmem:s31], [sflag:$0x3], $0x40, s12, s3, $0xb8;
	[tilespmem:$0x19500] =	vst v63  }
0x72: {  	_ =	swait.ge [sflag:s6], $0x2000  }
.Ltmp1:
0x73: {  	[sflag:s6] =	ssyncset.done $0x0;
	(pc) =	sbr.rel @p1 .LBB2_4-.Ltmp1, $4  }
0x74: {  	[sflag:s6] =	ssyncadd.s32 $0xFFFFE000  }
0x75: {  	[spmem:s2] =	stream.indirect.scatter.add.f32 @!p0 [tilespmem:s9], [sflag:$0x2], $0x10, s12, s8, $0xb8;
	[tilespmem:$0x19500] =	vst v63  }
0x76: {  	_ =	swait.ge @!p0 [sflag:s7], $0x800  }
0x77: {  	[sflag:s7] =	ssyncset.done @!p0 $0x0  }
0x78: {  	s8 =	sshra.s32 s10, $0x2;
	[sflag:s7] =	ssyncadd.s32 @!p0 $0xFFFFF800  }
0x79: {  	[tilespmem:s31], [sflag:$0x1] =	stream.indirect.gather [hbm4b:s28+s3], $0x40, s8, s3, $0xb8;
	[tilespmem:$0x19500] =	vst v63  }
0x7a: {  	_ =	swait.ge [sflag:s5], $0x2000  }
0x7b: {  	[sflag:s5] =	ssyncset.done $0x0  }
0x7c: {  	s8 =	sadd.s32 $0x4E80, s8;
	[sflag:s5] =	ssyncadd.s32 $0xFFFFE000  }
0x7d: {  	[spmem:s1] =	stream.indirect.scatter.add.f32 [tilespmem:s31], [sflag:$0x3], $0x40, s8, s3, $0xb8;
	[tilespmem:$0x19500] =	vst v63  }
0x7e: {  	_ =	swait.ge [sflag:s6], $0x2000  }
0x7f: {  	[sflag:s6] =	ssyncset.done $0x0  }
0x80: {  	s9 =	simm.s32 @!p0 $0x80;
	s10 =	simm.s32 @!p0 $0xBD00;
	[sflag:s6] =	ssyncadd.s32 $0xFFFFE000  }
0x81: {  	[spmem:s2] =	stream.indirect.scatter.add.f32 @!p0 [tilespmem:s10], [sflag:$0x2], $0x10, s8, s9, $0xb8;
	[tilespmem:$0x19500] =	vst v63  }
0x82: {  	_ =	swait.ge @!p0 [sflag:s7], $0x800  }
0x83: {  	[sflag:s7] =	ssyncset.done @!p0 $0x0  }
0x84: {  	s10 =	stileid.u32;
	[sflag:s7] =	ssyncadd.s32 @!p0 $0xFFFFF800  }
0x85: {  	s7 =	sshll.u32 s10, $0x6;
	[bflag:$0x0] =	sbarrier.arrive $0xFFFF  }
0x86: {  	s11 =	sshrl.u32 s15, $0x3;
	s7 =	sor.u32 $0x1C02, s7;
	s12 =	rddreg [dreg:$0x4]  }
0x87: {  	[hbm:s12], [sflag:s7] =	dma.local [spmem:s11], $0x400  }
0x88: {  	_ =	swait.ge [sflag:s0], $0x400  }
0x89: {  	[sflag:s0] =	ssyncset.done $0x0  }
0x8a: {  	s9 =	sshrl.u32 s16, $0x3;
	s10 =	rddreg [dreg:$0x5];
	[sflag:s0] =	ssyncadd.s32 $0xFFFFFC00  }
0x8b: {  	[hbm:s10], [sflag:s7] =	dma.local [spmem:s9], $0x400  }
0x8c: {  	_ =	swait.ge [sflag:s0], $0x400  }
0x8d: {  	[sflag:s0] =	ssyncset.done $0x0  }
0x8e: {  	s11 =	sshrl.u32 s19, $0x3;
	s12 =	rddreg [dreg:$0x6];
	[sflag:s0] =	ssyncadd.s32 $0xFFFFFC00  }
0x8f: {  	[hbm:s12], [sflag:s7] =	dma.local [spmem:s11], $0x400  }
0x90: {  	_ =	swait.ge [sflag:s0], $0x400  }
0x91: {  	[sflag:s0] =	ssyncset.done $0x0  }
0x92: {  	s9 =	sshrl.u32 s20, $0x3;
	s10 =	rddreg [dreg:$0x7];
	[sflag:s0] =	ssyncadd.s32 $0xFFFFFC00  }
0x93: {  	[hbm:s10], [sflag:s7] =	dma.local [spmem:s9], $0x400  }
0x94: {  	_ =	swait.ge [sflag:s0], $0x400  }
0x95: {  	[sflag:s0] =	ssyncset.done $0x0  }
0x96: {  	s11 =	sshrl.u32 s21, $0x3;
	s12 =	rddreg [dreg:$0x8];
	[sflag:s0] =	ssyncadd.s32 $0xFFFFFC00  }
0x97: {  	[hbm:s12], [sflag:s7] =	dma.local [spmem:s11], $0x400  }
0x98: {  	_ =	swait.ge [sflag:s0], $0x400  }
0x99: {  	[sflag:s0] =	ssyncset.done $0x0  }
0x9a: {  	s8 =	rddreg [dreg:$0x9];
	[sflag:s0] =	ssyncadd.s32 $0xFFFFFC00  }
0x9b: {  	[hbm:s8], [sflag:s7] =	dma.local @!p0 [spmem:s30], $0x100  }
0x9c: {  	s8 =	simm.s32 @!p0 $0x2  }
0x9d: {  	_ =	swait.ge @!p0 [sflag:s8], $0x100  }
0x9e: {  	[sflag:s8] =	ssyncset.done @!p0 $0x0  }
0x9f: {  	s9 =	sshrl.u32 @!p0 s18, $0x3;
	s10 =	rddreg [dreg:$0xa];
	[sflag:s8] =	ssyncadd.s32 @!p0 $0xFFFFFF00  }
0xa0: {  	[hbm:s10], [sflag:s7] =	dma.local @!p0 [spmem:s9], $0x100  }
0xa1: {  	_ =	swait.ge @!p0 [sflag:s8], $0x100  }
0xa2: {  	[sflag:s8] =	ssyncset.done @!p0 $0x0  }
0xa3: {  	s9 =	sshrl.u32 @!p0 s22, $0x3;
	s10 =	rddreg [dreg:$0xb];
	[sflag:s8] =	ssyncadd.s32 @!p0 $0xFFFFFF00  }
0xa4: {  	[hbm:s10], [sflag:s7] =	dma.local @!p0 [spmem:s9], $0x100  }
0xa5: {  	_ =	swait.ge @!p0 [sflag:s8], $0x100  }
0xa6: {  	[sflag:s8] =	ssyncset.done @!p0 $0x0  }
0xa7: {  	s9 =	sshrl.u32 @!p0 s23, $0x3;
	[sflag:s8] =	ssyncadd.s32 @!p0 $0xFFFFFF00  }
0xa8: {  	[hbm:s13], [sflag:s7] =	dma.local @!p0 [spmem:s9], $0x100  }
0xa9: {  	s4 =	sadd.s32 $0x1, s4;
	_ =	swait.ge @!p0 [sflag:s8], $0x100  }
0xaa: {  	p1 =	sne.s32 s4, s29;
	[sflag:s8] =	ssyncset.done @!p0 $0x0  }
.Ltmp2:
0xab: {  	s9 =	sshrl.u32 @!p0 s24, $0x3;
	[sflag:s8] =	ssyncadd.s32 @!p0 $0xFFFFFF00;
	(pc) =	sbr.rel @p1 .LBB2_1-.Ltmp2, $4  }
0xac: {  	[hbm:s14], [sflag:s7] =	dma.local @!p0 [spmem:s9], $0x100  }
0xad: {  	_ =	swait.ge @!p0 [sflag:s8], $0x100  }
0xae: {  	[sflag:s8] =	ssyncset.done @!p0 $0x0  }
0xaf: {  	[sflag:s8] =	ssyncadd.s32 @!p0 $0xFFFFFF00  }
0xb0: {  	_ =	sfence.sel $0x180000  }
0xb1: {  	[bflag:$0x0] =	sbarrier.arrive $0xFFFF  }
0xb2: {  	_ =	strace $0x90000047  }
0xb3: {  	s0 =	stileid.u32;
	[bflag:$0x2] =	sbarrier.arrive $0xFFFF  }
0xb4: {  	p0 =	sne.s32 s0, $0x0;
	s0 =	rddreg [dreg:$0x3]  }
0xb5: {  	s0 =	sadd.s32 @!p0 $0x100000, s0  }
0xb6: {  	[sflag:s0] =	ssyncadd.tile.s32 @!p0 $0x1;
	_ =	shalt  }
.Lfunc_end2:
_tile_overlayer_lowered:
.L_overlay_start_2:
0xb7: {  	(tag) =	ssettag $0x2  }
0xb8: {  	s0 =	rddreg [dreg:$0x0];
	s2 =	stileid.u32  }
0xb9: {  	s1 =	rddreg [dreg:$0x1];
	p0 =	sne.s32 s2, $0x0  }
0xba: {  	s3 =	rddreg [dreg:$0x2];
	[bflag:$0x3] =	sbarrier.arrive $0xFFFF;
	s2 =	simm.s32 @!p0 $0x1C02  }
0xbb: {  	[timem:s3], [sflag:s2] =	dma.local @!p0 [hbm:s0], s1  }
0xbc: {  	s0 =	simm.s32 @!p0 $0x2  }
0xbd: {  	_ =	swait.ge @!p0 [sflag:s0], s1  }
0xbe: {  	s1 =	ssub.s32 @!p0 $0x0, s1;
	[sflag:s0] =	ssyncset.done @!p0 $0x0  }
0xbf: {  	[sflag:s0] =	ssyncadd.s32 @!p0 s1  }
0xc0: {  	[bflag:$0x3] =	sbarrier.arrive $0xFFFF  }
0xc1: {  	_ =	shalt  }

</sc_bundles>
